<compile_context>
chip_gen: v7x
topology: tpu7x:2x2x1
jax: 0.10.2.dev20260603
libtpu: 0.0.44.dev20260713+nightly
codegen_flags: <defaults>
</compile_context>

<pallas_src>
import functools

import jax
import jax.numpy as jnp
from jax import lax
from jax.experimental import pallas as pl
from jax.experimental.pallas import tpu as pltpu
from jax.experimental.pallas import tpu_sc as plsc

N = 10000
E = 320000
D = 128
H = 128

NC = 2
NS = 16
NW = NC * NS
EPW = E // NW
CHUNK = 40
NCHUNKS = EPW // CHUNK
N_PAD = 10112
ROWS_PER_TILE = N_PAD // NS

BLK = 1000


def _pre_body(x_ref, w1_ref, w2_ref, ms_ref, md_ref):
    xb = x_ref[...]
    ms_ref[...] = jnp.dot(xb, w1_ref[...], preferred_element_type=jnp.float32)
    md_ref[...] = jnp.dot(xb, w2_ref[...], preferred_element_type=jnp.float32)


def _pre(x, W1, W2):
    return pl.pallas_call(
        _pre_body,
        grid=(N // BLK,),
        in_specs=[
            pl.BlockSpec((BLK, D), lambda i: (i, 0)),
            pl.BlockSpec((D, H), lambda i: (0, 0)),
            pl.BlockSpec((D, H), lambda i: (0, 0)),
        ],
        out_specs=[
            pl.BlockSpec((BLK, H), lambda i: (i, 0)),
            pl.BlockSpec((BLK, H), lambda i: (i, 0)),
        ],
        out_shape=[
            jax.ShapeDtypeStruct((N, H), jnp.float32),
            jax.ShapeDtypeStruct((N, H), jnp.float32),
        ],
    )(x, W1, W2)


def _edge_body(msrc_hbm, mdst_hbm, packed_hbm, out_hbm,
               pk, ss0, ss1, sd0, sd1, sc0, sc1,
               ra0, rb0, ra1, rb1, m0, m1, agg_sh,
               sga0, sgb0, sga1, sgb1, ssc0, ssc1, spk):
    c = lax.axis_index("c")
    s = lax.axis_index("s")
    wid = c * NS + s
    ssrc = (ss0, ss1)
    sdst = (sd0, sd1)
    sdsc = (sc0, sc1)
    ra = (ra0, ra1)
    rb = (rb0, rb1)
    mm = (m0, m1)
    sga = (sga0, sga1)
    sgb = (sgb0, sgb1)
    ssc = (ssc0, ssc1)

    pltpu.make_async_copy(
        packed_hbm.at[pl.ds(wid * EPW, EPW)], pk, spk).start()

    zeros16 = jnp.zeros((16,), jnp.float32)

    def zrow(r, carry):
        for j in range(H // 16):
            m0[r, pl.ds(j * 16, 16)] = zeros16
        return carry

    lax.fori_loop(0, CHUNK, zrow, 0)
    r0 = s * ROWS_PER_TILE
    for t in range(ROWS_PER_TILE // CHUNK):
        pltpu.sync_copy(m0, agg_sh.at[pl.ds(r0 + t * CHUNK, CHUNK)])
    rem = ROWS_PER_TILE % CHUNK
    if rem:
        pltpu.sync_copy(
            m0.at[pl.ds(0, rem)],
            agg_sh.at[pl.ds(r0 + (ROWS_PER_TILE // CHUNK) * CHUNK, rem)])
    pltpu.make_async_copy(
        packed_hbm.at[pl.ds(wid * EPW, EPW)], pk, spk).wait()
    plsc.subcore_barrier()

    lo_mask = jnp.full((16,), (1 << 14) - 1, jnp.int32)

    def unpack_idx(ci, b):
        for off in (0, 16, 24):
            v = pk[pl.ds(ci * CHUNK + off, 16)]
            ssrc[b][pl.ds(off, 16)] = v & lo_mask
            sdst[b][pl.ds(off, 16)] = lax.shift_right_logical(v, 14)

    def unpack_dsc(ci, b):
        for off in (0, 16, 24):
            v = pk[pl.ds(ci * CHUNK + off, 16)]
            sdsc[b][pl.ds(off, 16)] = lax.shift_right_logical(v, 14)

    def start_gather(b):
        pltpu.make_async_copy(msrc_hbm.at[ssrc[b]], ra[b], sga[b]).start()
        pltpu.make_async_copy(mdst_hbm.at[sdst[b]], rb[b], sgb[b]).start()

    def wait_gather(b):
        pltpu.make_async_copy(msrc_hbm.at[ssrc[b]], ra[b], sga[b]).wait()
        pltpu.make_async_copy(mdst_hbm.at[sdst[b]], rb[b], sgb[b]).wait()

    def start_scatter(b):
        pltpu.make_async_copy(mm[b], agg_sh.at[sdsc[b]], ssc[b]).start(add=True)

    def wait_scatter(b):
        pltpu.make_async_copy(mm[b], agg_sh.at[sdsc[b]], ssc[b]).wait()

    def compute(b):
        A, B, M = ra[b], rb[b], mm[b]

        def rowgrp(r2, carry):
            for rr in range(2):
                r = r2 * 2 + rr
                for j in range(H // 16):
                    av = A[r, pl.ds(j * 16, 16)]
                    bv = B[r, pl.ds(j * 16, 16)]
                    M[r, pl.ds(j * 16, 16)] = jnp.maximum(av + bv, 0.0)
            return carry

        lax.fori_loop(0, CHUNK // 2, rowgrp, 0)

    unpack_idx(0, 0)
    unpack_idx(1, 1)
    start_gather(0)
    start_gather(1)

    def stage(ci, b):
        wait_gather(b)

        @pl.when(ci >= 2)
        def _():
            wait_scatter(b)

        unpack_dsc(ci, b)
        compute(b)
        start_scatter(b)

        @pl.when(ci + 2 < NCHUNKS)
        def _():
            unpack_idx(ci + 2, b)
            start_gather(b)

    def g_body(g, carry):
        stage(2 * g, 0)
        stage(2 * g + 1, 1)
        return carry

    lax.fori_loop(0, NCHUNKS // 2, g_body, 0)
    if NCHUNKS % 2:
        stage(NCHUNKS - 1, 0)
        wait_scatter(1)
        wait_scatter(0)
    else:
        wait_scatter(0)
        wait_scatter(1)
    plsc.subcore_barrier()

    pltpu.sync_copy(agg_sh.at[pl.ds(r0, ROWS_PER_TILE)],
                    out_hbm.at[c, pl.ds(r0, ROWS_PER_TILE)])


def _edge_agg(m_src, m_dst, packed):
    mesh = plsc.VectorSubcoreMesh(core_axis_name="c", subcore_axis_name="s")
    f = functools.partial(
        pl.kernel,
        mesh=mesh,
        out_type=jax.ShapeDtypeStruct((NC, N_PAD, H), jnp.float32),
        scratch_types=(
            [pltpu.VMEM((EPW,), jnp.int32)]
            + [pltpu.VMEM((CHUNK,), jnp.int32) for _ in range(6)]
            + [pltpu.VMEM((CHUNK, H), jnp.float32) for _ in range(6)]
            + [pltpu.VMEM_SHARED((N_PAD, H), jnp.float32)]
            + [pltpu.SemaphoreType.DMA for _ in range(7)]
        ),
    )(_edge_body)
    return f(m_src, m_dst, packed)


def _post_body(x_ref, p0_ref, p1_ref, w3_ref, w4_ref, o_ref):
    acc = jnp.dot(x_ref[...], w3_ref[...], preferred_element_type=jnp.float32)
    agg = p0_ref[...] + p1_ref[...]
    acc = acc + jnp.dot(agg, w4_ref[...], preferred_element_type=jnp.float32)
    o_ref[...] = jnp.maximum(acc, 0.0)


def _post(x, p0, p1, W3, W4):
    return pl.pallas_call(
        _post_body,
        grid=(N // BLK,),
        in_specs=[
            pl.BlockSpec((BLK, D), lambda i: (i, 0)),
            pl.BlockSpec((BLK, H), lambda i: (i, 0)),
            pl.BlockSpec((BLK, H), lambda i: (i, 0)),
            pl.BlockSpec((D, H), lambda i: (0, 0)),
            pl.BlockSpec((H, H), lambda i: (0, 0)),
        ],
        out_specs=pl.BlockSpec((BLK, H), lambda i: (i, 0)),
        out_shape=jax.ShapeDtypeStruct((N, H), jnp.float32),
    )(x, p0, p1, W3, W4)


def kernel(x, edge_index, W1, W2, W3, W4):
    ei = edge_index.astype(jnp.int32)
    packed = ei[0] | (ei[1] << 14)
    m_src, m_dst = _pre(x, W1, W2)
    partials = _edge_agg(m_src, m_dst, packed)
    return _post(x, partials[0, :N], partials[1, :N], W3, W4)

# --- scband reference (transcript-rebuilt; emitter-appended) ---
"""Pipeline reference for scband-net-34815004901885 (READ-ONLY COPY).

The authoritative reference and input builder live on the scoring server;
editing this copy changes nothing except your own understanding.
"""

import jax, jax.numpy as jnp
import numpy as np

N = 10000
E = 320000
D = 128
H = 128


def setup_inputs(seed: int = 0) -> dict:
    key = jax.random.key(seed)
    k1, k2, k3, k4, k5, k6 = jax.random.split(key, 6)
    x = jax.random.normal(k1, (N, D), dtype=jnp.float32)
    edge_index = jax.random.randint(k2, (2, E), 0, N)
    s = 1.0 / np.sqrt(D)
    W1 = jax.random.normal(k3, (D, H), dtype=jnp.float32) * s
    W2 = jax.random.normal(k4, (D, H), dtype=jnp.float32) * s
    W3 = jax.random.normal(k5, (D, H), dtype=jnp.float32) * s
    W4 = jax.random.normal(k6, (H, H), dtype=jnp.float32) * (1.0 / np.sqrt(H))
    return {"x": x, "edge_index": edge_index, "W1": W1, "W2": W2, "W3": W3, "W4": W4}


def reference(x, edge_index, W1, W2, W3, W4):
    # Core CLRS-style MPNN processor step (one message-passing step):
    #   msg_e = relu(m1(z_src) + m2(z_dst))  gathered per edge
    #   agg_v = sum over incoming edges (scatter-add / segment_sum)
    #   h_v   = relu(o1(z_v) + o2(agg_v))
    src = edge_index[0]
    dst = edge_index[1]
    m_src = x @ W1          # [N, H] pre-transform (source messages)
    m_dst = x @ W2          # [N, H] pre-transform (dest messages)
    msg = jax.nn.relu(jnp.take(m_src, src, axis=0) + jnp.take(m_dst, dst, axis=0))  # [E, H]
    agg = jax.ops.segment_sum(msg, dst, num_segments=N)  # [N, H] scatter-add
    out = jax.nn.relu(x @ W3 + agg @ W4)                 # [N, H] node update
    return out

if __name__ == "__main__":
    import jax
    _d = setup_inputs()
    print(jax.jit(kernel)(*tuple(_d.values())))

</pallas_src>

<mosaic_0001>
#map = affine_map<(d0, d1) -> (0, 0)>
#map1 = affine_map<(d0, d1) -> (0)>
#map2 = affine_map<(d0, d1) -> (0, 0, 0)>
module attributes {stable_mosaic.version = 14 : i64} {
  func.func @_edge_body(%arg0: i32, %arg1: i32, %arg2: memref<10000x128xf32, #tpu.memory_space<hbm>>, %arg3: memref<10000x128xf32, #tpu.memory_space<hbm>>, %arg4: memref<320000xi32, #tpu.memory_space<hbm>>, %arg5: memref<2x10112x128xf32, #tpu.memory_space<hbm>>, %arg6: memref<10000xi32, #tpu.memory_space<vmem>>, %arg7: memref<40xi32, #tpu.memory_space<vmem>>, %arg8: memref<40xi32, #tpu.memory_space<vmem>>, %arg9: memref<40xi32, #tpu.memory_space<vmem>>, %arg10: memref<40xi32, #tpu.memory_space<vmem>>, %arg11: memref<40xi32, #tpu.memory_space<vmem>>, %arg12: memref<40xi32, #tpu.memory_space<vmem>>, %arg13: memref<40x128xf32, #tpu.memory_space<vmem>>, %arg14: memref<40x128xf32, #tpu.memory_space<vmem>>, %arg15: memref<40x128xf32, #tpu.memory_space<vmem>>, %arg16: memref<40x128xf32, #tpu.memory_space<vmem>>, %arg17: memref<40x128xf32, #tpu.memory_space<vmem>>, %arg18: memref<40x128xf32, #tpu.memory_space<vmem>>, %arg19: memref<10112x128xf32, #tpu.memory_space<vmem_shared>>, %arg20: memref<!tpu.dma_semaphore, #tpu.memory_space<semaphore_mem>>, %arg21: memref<!tpu.dma_semaphore, #tpu.memory_space<semaphore_mem>>, %arg22: memref<!tpu.dma_semaphore, #tpu.memory_space<semaphore_mem>>, %arg23: memref<!tpu.dma_semaphore, #tpu.memory_space<semaphore_mem>>, %arg24: memref<!tpu.dma_semaphore, #tpu.memory_space<semaphore_mem>>, %arg25: memref<!tpu.dma_semaphore, #tpu.memory_space<semaphore_mem>>, %arg26: memref<!tpu.dma_semaphore, #tpu.memory_space<semaphore_mem>>) attributes {dimension_semantics = [#tpu.dimension_semantics<core_parallel>, #tpu.dimension_semantics<subcore_parallel>], iteration_bounds = array<i64: 2, 16>, scalar_prefetch = 0 : i64, scratch_operands = 21 : i64, tpu.core_type = #tpu.core_type<sc_vector_subcore>, window_params = [{transform_indices = #map}, {transform_indices = #map}, {transform_indices = #map1}, {transform_indices = #map2}]} {
    %mul3A = arith.constant 16 : i32
    %mul3A_0 = arith.muli %arg0, %mul3A : i32
    %add3A = arith.addi %mul3A_0, %arg1 : i32
    %mul3A_1 = arith.constant 10000 : i32
    %mul3A_2 = arith.muli %add3A, %mul3A_1 : i32
    %dma_start3A = tpu.memref_slice %arg4[%mul3A_2] : memref<320000xi32, #tpu.memory_space<hbm>> -> memref<10000xi32, #tpu.memory_space<hbm>>
    %dma_start3A_3 = tpu.memref_slice %arg4[%mul3A_2] : memref<320000xi32, #tpu.memory_space<hbm>> -> memref<10000xi32, #tpu.memory_space<hbm>>
    tpu.enqueue_dma source(%dma_start3A_3 : memref<10000xi32, #tpu.memory_space<hbm>>) target(%arg6 : memref<10000xi32, #tpu.memory_space<vmem>>) target_semaphore(%arg26 : memref<!tpu.dma_semaphore, #tpu.memory_space<semaphore_mem>>)
    %broadcast_in_dim3A = arith.constant 0.000000e+00 : f32
    %broadcast_in_dim3A_4 = vector.broadcast %broadcast_in_dim3A : f32 to vector<16xf32>
    %scan3A = arith.constant 0 : i32
    %scan3A_5 = arith.constant 0 : i32
    %scan3A_6 = arith.constant 40 : i32
    %scan3A_7 = arith.addi %scan3A_5, %scan3A_6 : i32
    %scan3A_8 = arith.constant 1 : i32
    scf.for %scan3A_160 = %scan3A_5 to %scan3A_7 step %scan3A_8  : i32 {
      %swap3A_161 = arith.index_cast %scan3A_160 : i32 to index
      %swap3A_162 = arith.constant 0 : index
      %swap3A_163 = tpu.vector_load %arg17[%swap3A_161, %swap3A_162] {strides = array<i32>} : memref<40x128xf32, #tpu.memory_space<vmem>>, vector<1x16xf32>,
      %swap3A_164 = vector.shape_cast %swap3A_163 : vector<1x16xf32> to vector<16xf32>
      %swap3A_165 = vector.shape_cast %broadcast_in_dim3A_4 : vector<16xf32> to vector<1x16xf32>
      tpu.vector_store %arg17[%swap3A_161, %swap3A_162], %swap3A_165 {strides = array<i32>} : memref<40x128xf32, #tpu.memory_space<vmem>>, vector<1x16xf32>,
      %swap3A_166 = arith.index_cast %scan3A_160 : i32 to index
      %swap3A_167 = arith.constant 16 : index
      %swap3A_168 = tpu.vector_load %arg17[%swap3A_166, %swap3A_167] {strides = array<i32>} : memref<40x128xf32, #tpu.memory_space<vmem>>, vector<1x16xf32>,
      %swap3A_169 = vector.shape_cast %swap3A_168 : vector<1x16xf32> to vector<16xf32>
      %swap3A_170 = vector.shape_cast %broadcast_in_dim3A_4 : vector<16xf32> to vector<1x16xf32>
      tpu.vector_store %arg17[%swap3A_166, %swap3A_167], %swap3A_170 {strides = array<i32>} : memref<40x128xf32, #tpu.memory_space<vmem>>, vector<1x16xf32>,
      %swap3A_171 = arith.index_cast %scan3A_160 : i32 to index
      %swap3A_172 = arith.constant 32 : index
      %swap3A_173 = tpu.vector_load %arg17[%swap3A_171, %swap3A_172] {strides = array<i32>} : memref<40x128xf32, #tpu.memory_space<vmem>>, vector<1x16xf32>,
      %swap3A_174 = vector.shape_cast %swap3A_173 : vector<1x16xf32> to vector<16xf32>
      %swap3A_175 = vector.shape_cast %broadcast_in_dim3A_4 : vector<16xf32> to vector<1x16xf32>
      tpu.vector_store %arg17[%swap3A_171, %swap3A_172], %swap3A_175 {strides = array<i32>} : memref<40x128xf32, #tpu.memory_space<vmem>>, vector<1x16xf32>,
      %swap3A_176 = arith.index_cast %scan3A_160 : i32 to index
      %swap3A_177 = arith.constant 48 : index
      %swap3A_178 = tpu.vector_load %arg17[%swap3A_176, %swap3A_177] {strides = array<i32>} : memref<40x128xf32, #tpu.memory_space<vmem>>, vector<1x16xf32>,
      %swap3A_179 = vector.shape_cast %swap3A_178 : vector<1x16xf32> to vector<16xf32>
      %swap3A_180 = vector.shape_cast %broadcast_in_dim3A_4 : vector<16xf32> to vector<1x16xf32>
      tpu.vector_store %arg17[%swap3A_176, %swap3A_177], %swap3A_180 {strides = array<i32>} : memref<40x128xf32, #tpu.memory_space<vmem>>, vector<1x16xf32>,
      %swap3A_181 = arith.index_cast %scan3A_160 : i32 to index
      %swap3A_182 = arith.constant 64 : index
      %swap3A_183 = tpu.vector_load %arg17[%swap3A_181, %swap3A_182] {strides = array<i32>} : memref<40x128xf32, #tpu.memory_space<vmem>>, vector<1x16xf32>,
      %swap3A_184 = vector.shape_cast %swap3A_183 : vector<1x16xf32> to vector<16xf32>
      %swap3A_185 = vector.shape_cast %broadcast_in_dim3A_4 : vector<16xf32> to vector<1x16xf32>
      tpu.vector_store %arg17[%swap3A_181, %swap3A_182], %swap3A_185 {strides = array<i32>} : memref<40x128xf32, #tpu.memory_space<vmem>>, vector<1x16xf32>,
      %swap3A_186 = arith.index_cast %scan3A_160 : i32 to index
      %swap3A_187 = arith.constant 80 : index
      %swap3A_188 = tpu.vector_load %arg17[%swap3A_186, %swap3A_187] {strides = array<i32>} : memref<40x128xf32, #tpu.memory_space<vmem>>, vector<1x16xf32>,
      %swap3A_189 = vector.shape_cast %swap3A_188 : vector<1x16xf32> to vector<16xf32>
      %swap3A_190 = vector.shape_cast %broadcast_in_dim3A_4 : vector<16xf32> to vector<1x16xf32>
      tpu.vector_store %arg17[%swap3A_186, %swap3A_187], %swap3A_190 {strides = array<i32>} : memref<40x128xf32, #tpu.memory_space<vmem>>, vector<1x16xf32>,
      %swap3A_191 = arith.index_cast %scan3A_160 : i32 to index
      %swap3A_192 = arith.constant 96 : index
      %swap3A_193 = tpu.vector_load %arg17[%swap3A_191, %swap3A_192] {strides = array<i32>} : memref<40x128xf32, #tpu.memory_space<vmem>>, vector<1x16xf32>,
      %swap3A_194 = vector.shape_cast %swap3A_193 : vector<1x16xf32> to vector<16xf32>
      %swap3A_195 = vector.shape_cast %broadcast_in_dim3A_4 : vector<16xf32> to vector<1x16xf32>
      tpu.vector_store %arg17[%swap3A_191, %swap3A_192], %swap3A_195 {strides = array<i32>} : memref<40x128xf32, #tpu.memory_space<vmem>>, vector<1x16xf32>,
      %swap3A_196 = arith.index_cast %scan3A_160 : i32 to index
      %swap3A_197 = arith.constant 112 : index
      %swap3A_198 = tpu.vector_load %arg17[%swap3A_196, %swap3A_197] {strides = array<i32>} : memref<40x128xf32, #tpu.memory_space<vmem>>, vector<1x16xf32>,
      %swap3A_199 = vector.shape_cast %swap3A_198 : vector<1x16xf32> to vector<16xf32>
      %swap3A_200 = vector.shape_cast %broadcast_in_dim3A_4 : vector<16xf32> to vector<1x16xf32>
      tpu.vector_store %arg17[%swap3A_196, %swap3A_197], %swap3A_200 {strides = array<i32>} : memref<40x128xf32, #tpu.memory_space<vmem>>, vector<1x16xf32>,
    }
    %scan3A_9 = arith.constant 40 : i32
    %mul3A_10 = arith.constant 632 : i32
    %mul3A_11 = arith.muli %arg1, %mul3A_10 : i32
    %add3A_12 = arith.constant 0 : i32
    %add3A_13 = arith.addi %mul3A_11, %add3A_12 : i32
    "tpu.region"() ({
      %run_scoped3A = tpu.sem_alloc : memref<!tpu.dma_semaphore, #tpu.memory_space<semaphore_mem>>
      %dma_start3A_160 = arith.constant 0 : i32
      %dma_start3A_161 = tpu.memref_slice %arg19[%add3A_13, %dma_start3A_160] : memref<10112x128xf32, #tpu.memory_space<vmem_shared>> -> memref<40x128xf32, #tpu.memory_space<vmem_shared>>
      %dma_start3A_162 = arith.constant 0 : i32
      %dma_start3A_163 = tpu.memref_slice %arg19[%add3A_13, %dma_start3A_162] : memref<10112x128xf32, #tpu.memory_space<vmem_shared>> -> memref<40x128xf32, #tpu.memory_space<vmem_shared>>
      tpu.enqueue_dma source(%arg17 : memref<40x128xf32, #tpu.memory_space<vmem>>) target(%dma_start3A_163 : memref<40x128xf32, #tpu.memory_space<vmem_shared>>) target_semaphore(%run_scoped3A : memref<!tpu.dma_semaphore, #tpu.memory_space<semaphore_mem>>)
      %dma_wait3A_164 = arith.constant 0 : i32
      %dma_wait3A_165 = tpu.memref_slice %arg19[%add3A_13, %dma_wait3A_164] : memref<10112x128xf32, #tpu.memory_space<vmem_shared>> -> memref<40x128xf32, #tpu.memory_space<vmem_shared>>
      %dma_wait3A_166 = arith.constant 0 : i32
      %dma_wait3A_167 = tpu.memref_slice %arg19[%add3A_13, %dma_wait3A_166] : memref<10112x128xf32, #tpu.memory_space<vmem_shared>> -> memref<40x128xf32, #tpu.memory_space<vmem_shared>>
      tpu.wait_dma2 semaphore(%run_scoped3A : memref<!tpu.dma_semaphore, #tpu.memory_space<semaphore_mem>>) src(%arg17 : memref<40x128xf32, #tpu.memory_space<vmem>>) dst(%dma_wait3A_167 : memref<40x128xf32, #tpu.memory_space<vmem_shared>>)
      tpu.yield
    }) : () -> ()
    %add3A_14 = arith.constant 40 : i32
    %add3A_15 = arith.addi %mul3A_11, %add3A_14 : i32
    "tpu.region"() ({
      %run_scoped3A = tpu.sem_alloc : memref<!tpu.dma_semaphore, #tpu.memory_space<semaphore_mem>>
      %dma_start3A_160 = arith.constant 0 : i32
      %dma_start3A_161 = tpu.memref_slice %arg19[%add3A_15, %dma_start3A_160] : memref<10112x128xf32, #tpu.memory_space<vmem_shared>> -> memref<40x128xf32, #tpu.memory_space<vmem_shared>>
      %dma_start3A_162 = arith.constant 0 : i32
      %dma_start3A_163 = tpu.memref_slice %arg19[%add3A_15, %dma_start3A_162] : memref<10112x128xf32, #tpu.memory_space<vmem_shared>> -> memref<40x128xf32, #tpu.memory_space<vmem_shared>>
      tpu.enqueue_dma source(%arg17 : memref<40x128xf32, #tpu.memory_space<vmem>>) target(%dma_start3A_163 : memref<40x128xf32, #tpu.memory_space<vmem_shared>>) target_semaphore(%run_scoped3A : memref<!tpu.dma_semaphore, #tpu.memory_space<semaphore_mem>>)
      %dma_wait3A_164 = arith.constant 0 : i32
      %dma_wait3A_165 = tpu.memref_slice %arg19[%add3A_15, %dma_wait3A_164] : memref<10112x128xf32, #tpu.memory_space<vmem_shared>> -> memref<40x128xf32, #tpu.memory_space<vmem_shared>>
      %dma_wait3A_166 = arith.constant 0 : i32
      %dma_wait3A_167 = tpu.memref_slice %arg19[%add3A_15, %dma_wait3A_166] : memref<10112x128xf32, #tpu.memory_space<vmem_shared>> -> memref<40x128xf32, #tpu.memory_space<vmem_shared>>
      tpu.wait_dma2 semaphore(%run_scoped3A : memref<!tpu.dma_semaphore, #tpu.memory_space<semaphore_mem>>) src(%arg17 : memref<40x128xf32, #tpu.memory_space<vmem>>) dst(%dma_wait3A_167 : memref<40x128xf32, #tpu.memory_space<vmem_shared>>)
      tpu.yield
    }) : () -> ()
    %add3A_16 = arith.constant 80 : i32
    %add3A_17 = arith.addi %mul3A_11, %add3A_16 : i32
    "tpu.region"() ({
      %run_scoped3A = tpu.sem_alloc : memref<!tpu.dma_semaphore, #tpu.memory_space<semaphore_mem>>
      %dma_start3A_160 = arith.constant 0 : i32
      %dma_start3A_161 = tpu.memref_slice %arg19[%add3A_17, %dma_start3A_160] : memref<10112x128xf32, #tpu.memory_space<vmem_shared>> -> memref<40x128xf32, #tpu.memory_space<vmem_shared>>
      %dma_start3A_162 = arith.constant 0 : i32
      %dma_start3A_163 = tpu.memref_slice %arg19[%add3A_17, %dma_start3A_162] : memref<10112x128xf32, #tpu.memory_space<vmem_shared>> -> memref<40x128xf32, #tpu.memory_space<vmem_shared>>
      tpu.enqueue_dma source(%arg17 : memref<40x128xf32, #tpu.memory_space<vmem>>) target(%dma_start3A_163 : memref<40x128xf32, #tpu.memory_space<vmem_shared>>) target_semaphore(%run_scoped3A : memref<!tpu.dma_semaphore, #tpu.memory_space<semaphore_mem>>)
      %dma_wait3A_164 = arith.constant 0 : i32
      %dma_wait3A_165 = tpu.memref_slice %arg19[%add3A_17, %dma_wait3A_164] : memref<10112x128xf32, #tpu.memory_space<vmem_shared>> -> memref<40x128xf32, #tpu.memory_space<vmem_shared>>
      %dma_wait3A_166 = arith.constant 0 : i32
      %dma_wait3A_167 = tpu.memref_slice %arg19[%add3A_17, %dma_wait3A_166] : memref<10112x128xf32, #tpu.memory_space<vmem_shared>> -> memref<40x128xf32, #tpu.memory_space<vmem_shared>>
      tpu.wait_dma2 semaphore(%run_scoped3A : memref<!tpu.dma_semaphore, #tpu.memory_space<semaphore_mem>>) src(%arg17 : memref<40x128xf32, #tpu.memory_space<vmem>>) dst(%dma_wait3A_167 : memref<40x128xf32, #tpu.memory_space<vmem_shared>>)
      tpu.yield
    }) : () -> ()
    %add3A_18 = arith.constant 120 : i32
    %add3A_19 = arith.addi %mul3A_11, %add3A_18 : i32
    "tpu.region"() ({
      %run_scoped3A = tpu.sem_alloc : memref<!tpu.dma_semaphore, #tpu.memory_space<semaphore_mem>>
      %dma_start3A_160 = arith.constant 0 : i32
      %dma_start3A_161 = tpu.memref_slice %arg19[%add3A_19, %dma_start3A_160] : memref<10112x128xf32, #tpu.memory_space<vmem_shared>> -> memref<40x128xf32, #tpu.memory_space<vmem_shared>>
      %dma_start3A_162 = arith.constant 0 : i32
      %dma_start3A_163 = tpu.memref_slice %arg19[%add3A_19, %dma_start3A_162] : memref<10112x128xf32, #tpu.memory_space<vmem_shared>> -> memref<40x128xf32, #tpu.memory_space<vmem_shared>>
      tpu.enqueue_dma source(%arg17 : memref<40x128xf32, #tpu.memory_space<vmem>>) target(%dma_start3A_163 : memref<40x128xf32, #tpu.memory_space<vmem_shared>>) target_semaphore(%run_scoped3A : memref<!tpu.dma_semaphore, #tpu.memory_space<semaphore_mem>>)
      %dma_wait3A_164 = arith.constant 0 : i32
      %dma_wait3A_165 = tpu.memref_slice %arg19[%add3A_19, %dma_wait3A_164] : memref<10112x128xf32, #tpu.memory_space<vmem_shared>> -> memref<40x128xf32, #tpu.memory_space<vmem_shared>>
      %dma_wait3A_166 = arith.constant 0 : i32
      %dma_wait3A_167 = tpu.memref_slice %arg19[%add3A_19, %dma_wait3A_166] : memref<10112x128xf32, #tpu.memory_space<vmem_shared>> -> memref<40x128xf32, #tpu.memory_space<vmem_shared>>
      tpu.wait_dma2 semaphore(%run_scoped3A : memref<!tpu.dma_semaphore, #tpu.memory_space<semaphore_mem>>) src(%arg17 : memref<40x128xf32, #tpu.memory_space<vmem>>) dst(%dma_wait3A_167 : memref<40x128xf32, #tpu.memory_space<vmem_shared>>)
      tpu.yield
    }) : () -> ()
    %add3A_20 = arith.constant 160 : i32
    %add3A_21 = arith.addi %mul3A_11, %add3A_20 : i32
    "tpu.region"() ({
      %run_scoped3A = tpu.sem_alloc : memref<!tpu.dma_semaphore, #tpu.memory_space<semaphore_mem>>
      %dma_start3A_160 = arith.constant 0 : i32
      %dma_start3A_161 = tpu.memref_slice %arg19[%add3A_21, %dma_start3A_160] : memref<10112x128xf32, #tpu.memory_space<vmem_shared>> -> memref<40x128xf32, #tpu.memory_space<vmem_shared>>
      %dma_start3A_162 = arith.constant 0 : i32
      %dma_start3A_163 = tpu.memref_slice %arg19[%add3A_21, %dma_start3A_162] : memref<10112x128xf32, #tpu.memory_space<vmem_shared>> -> memref<40x128xf32, #tpu.memory_space<vmem_shared>>
      tpu.enqueue_dma source(%arg17 : memref<40x128xf32, #tpu.memory_space<vmem>>) target(%dma_start3A_163 : memref<40x128xf32, #tpu.memory_space<vmem_shared>>) target_semaphore(%run_scoped3A : memref<!tpu.dma_semaphore, #tpu.memory_space<semaphore_mem>>)
      %dma_wait3A_164 = arith.constant 0 : i32
      %dma_wait3A_165 = tpu.memref_slice %arg19[%add3A_21, %dma_wait3A_164] : memref<10112x128xf32, #tpu.memory_space<vmem_shared>> -> memref<40x128xf32, #tpu.memory_space<vmem_shared>>
      %dma_wait3A_166 = arith.constant 0 : i32
      %dma_wait3A_167 = tpu.memref_slice %arg19[%add3A_21, %dma_wait3A_166] : memref<10112x128xf32, #tpu.memory_space<vmem_shared>> -> memref<40x128xf32, #tpu.memory_space<vmem_shared>>
      tpu.wait_dma2 semaphore(%run_scoped3A : memref<!tpu.dma_semaphore, #tpu.memory_space<semaphore_mem>>) src(%arg17 : memref<40x128xf32, #tpu.memory_space<vmem>>) dst(%dma_wait3A_167 : memref<40x128xf32, #tpu.memory_space<vmem_shared>>)
      tpu.yield
    }) : () -> ()
    %add3A_22 = arith.constant 200 : i32
    %add3A_23 = arith.addi %mul3A_11, %add3A_22 : i32
    "tpu.region"() ({
      %run_scoped3A = tpu.sem_alloc : memref<!tpu.dma_semaphore, #tpu.memory_space<semaphore_mem>>
      %dma_start3A_160 = arith.constant 0 : i32
      %dma_start3A_161 = tpu.memref_slice %arg19[%add3A_23, %dma_start3A_160] : memref<10112x128xf32, #tpu.memory_space<vmem_shared>> -> memref<40x128xf32, #tpu.memory_space<vmem_shared>>
      %dma_start3A_162 = arith.constant 0 : i32
      %dma_start3A_163 = tpu.memref_slice %arg19[%add3A_23, %dma_start3A_162] : memref<10112x128xf32, #tpu.memory_space<vmem_shared>> -> memref<40x128xf32, #tpu.memory_space<vmem_shared>>
      tpu.enqueue_dma source(%arg17 : memref<40x128xf32, #tpu.memory_space<vmem>>) target(%dma_start3A_163 : memref<40x128xf32, #tpu.memory_space<vmem_shared>>) target_semaphore(%run_scoped3A : memref<!tpu.dma_semaphore, #tpu.memory_space<semaphore_mem>>)
      %dma_wait3A_164 = arith.constant 0 : i32
      %dma_wait3A_165 = tpu.memref_slice %arg19[%add3A_23, %dma_wait3A_164] : memref<10112x128xf32, #tpu.memory_space<vmem_shared>> -> memref<40x128xf32, #tpu.memory_space<vmem_shared>>
      %dma_wait3A_166 = arith.constant 0 : i32
      %dma_wait3A_167 = tpu.memref_slice %arg19[%add3A_23, %dma_wait3A_166] : memref<10112x128xf32, #tpu.memory_space<vmem_shared>> -> memref<40x128xf32, #tpu.memory_space<vmem_shared>>
      tpu.wait_dma2 semaphore(%run_scoped3A : memref<!tpu.dma_semaphore, #tpu.memory_space<semaphore_mem>>) src(%arg17 : memref<40x128xf32, #tpu.memory_space<vmem>>) dst(%dma_wait3A_167 : memref<40x128xf32, #tpu.memory_space<vmem_shared>>)
      tpu.yield
    }) : () -> ()
    %add3A_24 = arith.constant 240 : i32
    %add3A_25 = arith.addi %mul3A_11, %add3A_24 : i32
    "tpu.region"() ({
      %run_scoped3A = tpu.sem_alloc : memref<!tpu.dma_semaphore, #tpu.memory_space<semaphore_mem>>
      %dma_start3A_160 = arith.constant 0 : i32
      %dma_start3A_161 = tpu.memref_slice %arg19[%add3A_25, %dma_start3A_160] : memref<10112x128xf32, #tpu.memory_space<vmem_shared>> -> memref<40x128xf32, #tpu.memory_space<vmem_shared>>
      %dma_start3A_162 = arith.constant 0 : i32
      %dma_start3A_163 = tpu.memref_slice %arg19[%add3A_25, %dma_start3A_162] : memref<10112x128xf32, #tpu.memory_space<vmem_shared>> -> memref<40x128xf32, #tpu.memory_space<vmem_shared>>
      tpu.enqueue_dma source(%arg17 : memref<40x128xf32, #tpu.memory_space<vmem>>) target(%dma_start3A_163 : memref<40x128xf32, #tpu.memory_space<vmem_shared>>) target_semaphore(%run_scoped3A : memref<!tpu.dma_semaphore, #tpu.memory_space<semaphore_mem>>)
      %dma_wait3A_164 = arith.constant 0 : i32
      %dma_wait3A_165 = tpu.memref_slice %arg19[%add3A_25, %dma_wait3A_164] : memref<10112x128xf32, #tpu.memory_space<vmem_shared>> -> memref<40x128xf32, #tpu.memory_space<vmem_shared>>
      %dma_wait3A_166 = arith.constant 0 : i32
      %dma_wait3A_167 = tpu.memref_slice %arg19[%add3A_25, %dma_wait3A_166] : memref<10112x128xf32, #tpu.memory_space<vmem_shared>> -> memref<40x128xf32, #tpu.memory_space<vmem_shared>>
      tpu.wait_dma2 semaphore(%run_scoped3A : memref<!tpu.dma_semaphore, #tpu.memory_space<semaphore_mem>>) src(%arg17 : memref<40x128xf32, #tpu.memory_space<vmem>>) dst(%dma_wait3A_167 : memref<40x128xf32, #tpu.memory_space<vmem_shared>>)
      tpu.yield
    }) : () -> ()
    %add3A_26 = arith.constant 280 : i32
    %add3A_27 = arith.addi %mul3A_11, %add3A_26 : i32
    "tpu.region"() ({
      %run_scoped3A = tpu.sem_alloc : memref<!tpu.dma_semaphore, #tpu.memory_space<semaphore_mem>>
      %dma_start3A_160 = arith.constant 0 : i32
      %dma_start3A_161 = tpu.memref_slice %arg19[%add3A_27, %dma_start3A_160] : memref<10112x128xf32, #tpu.memory_space<vmem_shared>> -> memref<40x128xf32, #tpu.memory_space<vmem_shared>>
      %dma_start3A_162 = arith.constant 0 : i32
      %dma_start3A_163 = tpu.memref_slice %arg19[%add3A_27, %dma_start3A_162] : memref<10112x128xf32, #tpu.memory_space<vmem_shared>> -> memref<40x128xf32, #tpu.memory_space<vmem_shared>>
      tpu.enqueue_dma source(%arg17 : memref<40x128xf32, #tpu.memory_space<vmem>>) target(%dma_start3A_163 : memref<40x128xf32, #tpu.memory_space<vmem_shared>>) target_semaphore(%run_scoped3A : memref<!tpu.dma_semaphore, #tpu.memory_space<semaphore_mem>>)
      %dma_wait3A_164 = arith.constant 0 : i32
      %dma_wait3A_165 = tpu.memref_slice %arg19[%add3A_27, %dma_wait3A_164] : memref<10112x128xf32, #tpu.memory_space<vmem_shared>> -> memref<40x128xf32, #tpu.memory_space<vmem_shared>>
      %dma_wait3A_166 = arith.constant 0 : i32
      %dma_wait3A_167 = tpu.memref_slice %arg19[%add3A_27, %dma_wait3A_166] : memref<10112x128xf32, #tpu.memory_space<vmem_shared>> -> memref<40x128xf32, #tpu.memory_space<vmem_shared>>
      tpu.wait_dma2 semaphore(%run_scoped3A : memref<!tpu.dma_semaphore, #tpu.memory_space<semaphore_mem>>) src(%arg17 : memref<40x128xf32, #tpu.memory_space<vmem>>) dst(%dma_wait3A_167 : memref<40x128xf32, #tpu.memory_space<vmem_shared>>)
      tpu.yield
    }) : () -> ()
    %add3A_28 = arith.constant 320 : i32
    %add3A_29 = arith.addi %mul3A_11, %add3A_28 : i32
    "tpu.region"() ({
      %run_scoped3A = tpu.sem_alloc : memref<!tpu.dma_semaphore, #tpu.memory_space<semaphore_mem>>
      %dma_start3A_160 = arith.constant 0 : i32
      %dma_start3A_161 = tpu.memref_slice %arg19[%add3A_29, %dma_start3A_160] : memref<10112x128xf32, #tpu.memory_space<vmem_shared>> -> memref<40x128xf32, #tpu.memory_space<vmem_shared>>
      %dma_start3A_162 = arith.constant 0 : i32
      %dma_start3A_163 = tpu.memref_slice %arg19[%add3A_29, %dma_start3A_162] : memref<10112x128xf32, #tpu.memory_space<vmem_shared>> -> memref<40x128xf32, #tpu.memory_space<vmem_shared>>
      tpu.enqueue_dma source(%arg17 : memref<40x128xf32, #tpu.memory_space<vmem>>) target(%dma_start3A_163 : memref<40x128xf32, #tpu.memory_space<vmem_shared>>) target_semaphore(%run_scoped3A : memref<!tpu.dma_semaphore, #tpu.memory_space<semaphore_mem>>)
      %dma_wait3A_164 = arith.constant 0 : i32
      %dma_wait3A_165 = tpu.memref_slice %arg19[%add3A_29, %dma_wait3A_164] : memref<10112x128xf32, #tpu.memory_space<vmem_shared>> -> memref<40x128xf32, #tpu.memory_space<vmem_shared>>
      %dma_wait3A_166 = arith.constant 0 : i32
      %dma_wait3A_167 = tpu.memref_slice %arg19[%add3A_29, %dma_wait3A_166] : memref<10112x128xf32, #tpu.memory_space<vmem_shared>> -> memref<40x128xf32, #tpu.memory_space<vmem_shared>>
      tpu.wait_dma2 semaphore(%run_scoped3A : memref<!tpu.dma_semaphore, #tpu.memory_space<semaphore_mem>>) src(%arg17 : memref<40x128xf32, #tpu.memory_space<vmem>>) dst(%dma_wait3A_167 : memref<40x128xf32, #tpu.memory_space<vmem_shared>>)
      tpu.yield
    }) : () -> ()
    %add3A_30 = arith.constant 360 : i32
    %add3A_31 = arith.addi %mul3A_11, %add3A_30 : i32
    "tpu.region"() ({
      %run_scoped3A = tpu.sem_alloc : memref<!tpu.dma_semaphore, #tpu.memory_space<semaphore_mem>>
      %dma_start3A_160 = arith.constant 0 : i32
      %dma_start3A_161 = tpu.memref_slice %arg19[%add3A_31, %dma_start3A_160] : memref<10112x128xf32, #tpu.memory_space<vmem_shared>> -> memref<40x128xf32, #tpu.memory_space<vmem_shared>>
      %dma_start3A_162 = arith.constant 0 : i32
      %dma_start3A_163 = tpu.memref_slice %arg19[%add3A_31, %dma_start3A_162] : memref<10112x128xf32, #tpu.memory_space<vmem_shared>> -> memref<40x128xf32, #tpu.memory_space<vmem_shared>>
      tpu.enqueue_dma source(%arg17 : memref<40x128xf32, #tpu.memory_space<vmem>>) target(%dma_start3A_163 : memref<40x128xf32, #tpu.memory_space<vmem_shared>>) target_semaphore(%run_scoped3A : memref<!tpu.dma_semaphore, #tpu.memory_space<semaphore_mem>>)
      %dma_wait3A_164 = arith.constant 0 : i32
      %dma_wait3A_165 = tpu.memref_slice %arg19[%add3A_31, %dma_wait3A_164] : memref<10112x128xf32, #tpu.memory_space<vmem_shared>> -> memref<40x128xf32, #tpu.memory_space<vmem_shared>>
      %dma_wait3A_166 = arith.constant 0 : i32
      %dma_wait3A_167 = tpu.memref_slice %arg19[%add3A_31, %dma_wait3A_166] : memref<10112x128xf32, #tpu.memory_space<vmem_shared>> -> memref<40x128xf32, #tpu.memory_space<vmem_shared>>
      tpu.wait_dma2 semaphore(%run_scoped3A : memref<!tpu.dma_semaphore, #tpu.memory_space<semaphore_mem>>) src(%arg17 : memref<40x128xf32, #tpu.memory_space<vmem>>) dst(%dma_wait3A_167 : memref<40x128xf32, #tpu.memory_space<vmem_shared>>)
      tpu.yield
    }) : () -> ()
    %add3A_32 = arith.constant 400 : i32
    %add3A_33 = arith.addi %mul3A_11, %add3A_32 : i32
    "tpu.region"() ({
      %run_scoped3A = tpu.sem_alloc : memref<!tpu.dma_semaphore, #tpu.memory_space<semaphore_mem>>
      %dma_start3A_160 = arith.constant 0 : i32
      %dma_start3A_161 = tpu.memref_slice %arg19[%add3A_33, %dma_start3A_160] : memref<10112x128xf32, #tpu.memory_space<vmem_shared>> -> memref<40x128xf32, #tpu.memory_space<vmem_shared>>
      %dma_start3A_162 = arith.constant 0 : i32
      %dma_start3A_163 = tpu.memref_slice %arg19[%add3A_33, %dma_start3A_162] : memref<10112x128xf32, #tpu.memory_space<vmem_shared>> -> memref<40x128xf32, #tpu.memory_space<vmem_shared>>
      tpu.enqueue_dma source(%arg17 : memref<40x128xf32, #tpu.memory_space<vmem>>) target(%dma_start3A_163 : memref<40x128xf32, #tpu.memory_space<vmem_shared>>) target_semaphore(%run_scoped3A : memref<!tpu.dma_semaphore, #tpu.memory_space<semaphore_mem>>)
      %dma_wait3A_164 = arith.constant 0 : i32
      %dma_wait3A_165 = tpu.memref_slice %arg19[%add3A_33, %dma_wait3A_164] : memref<10112x128xf32, #tpu.memory_space<vmem_shared>> -> memref<40x128xf32, #tpu.memory_space<vmem_shared>>
      %dma_wait3A_166 = arith.constant 0 : i32
      %dma_wait3A_167 = tpu.memref_slice %arg19[%add3A_33, %dma_wait3A_166] : memref<10112x128xf32, #tpu.memory_space<vmem_shared>> -> memref<40x128xf32, #tpu.memory_space<vmem_shared>>
      tpu.wait_dma2 semaphore(%run_scoped3A : memref<!tpu.dma_semaphore, #tpu.memory_space<semaphore_mem>>) src(%arg17 : memref<40x128xf32, #tpu.memory_space<vmem>>) dst(%dma_wait3A_167 : memref<40x128xf32, #tpu.memory_space<vmem_shared>>)
      tpu.yield
    }) : () -> ()
    %add3A_34 = arith.constant 440 : i32
    %add3A_35 = arith.addi %mul3A_11, %add3A_34 : i32
    "tpu.region"() ({
      %run_scoped3A = tpu.sem_alloc : memref<!tpu.dma_semaphore, #tpu.memory_space<semaphore_mem>>
      %dma_start3A_160 = arith.constant 0 : i32
      %dma_start3A_161 = tpu.memref_slice %arg19[%add3A_35, %dma_start3A_160] : memref<10112x128xf32, #tpu.memory_space<vmem_shared>> -> memref<40x128xf32, #tpu.memory_space<vmem_shared>>
      %dma_start3A_162 = arith.constant 0 : i32
      %dma_start3A_163 = tpu.memref_slice %arg19[%add3A_35, %dma_start3A_162] : memref<10112x128xf32, #tpu.memory_space<vmem_shared>> -> memref<40x128xf32, #tpu.memory_space<vmem_shared>>
      tpu.enqueue_dma source(%arg17 : memref<40x128xf32, #tpu.memory_space<vmem>>) target(%dma_start3A_163 : memref<40x128xf32, #tpu.memory_space<vmem_shared>>) target_semaphore(%run_scoped3A : memref<!tpu.dma_semaphore, #tpu.memory_space<semaphore_mem>>)
      %dma_wait3A_164 = arith.constant 0 : i32
      %dma_wait3A_165 = tpu.memref_slice %arg19[%add3A_35, %dma_wait3A_164] : memref<10112x128xf32, #tpu.memory_space<vmem_shared>> -> memref<40x128xf32, #tpu.memory_space<vmem_shared>>
      %dma_wait3A_166 = arith.constant 0 : i32
      %dma_wait3A_167 = tpu.memref_slice %arg19[%add3A_35, %dma_wait3A_166] : memref<10112x128xf32, #tpu.memory_space<vmem_shared>> -> memref<40x128xf32, #tpu.memory_space<vmem_shared>>
      tpu.wait_dma2 semaphore(%run_scoped3A : memref<!tpu.dma_semaphore, #tpu.memory_space<semaphore_mem>>) src(%arg17 : memref<40x128xf32, #tpu.memory_space<vmem>>) dst(%dma_wait3A_167 : memref<40x128xf32, #tpu.memory_space<vmem_shared>>)
      tpu.yield
    }) : () -> ()
    %add3A_36 = arith.constant 480 : i32
    %add3A_37 = arith.addi %mul3A_11, %add3A_36 : i32
    "tpu.region"() ({
      %run_scoped3A = tpu.sem_alloc : memref<!tpu.dma_semaphore, #tpu.memory_space<semaphore_mem>>
      %dma_start3A_160 = arith.constant 0 : i32
      %dma_start3A_161 = tpu.memref_slice %arg19[%add3A_37, %dma_start3A_160] : memref<10112x128xf32, #tpu.memory_space<vmem_shared>> -> memref<40x128xf32, #tpu.memory_space<vmem_shared>>
      %dma_start3A_162 = arith.constant 0 : i32
      %dma_start3A_163 = tpu.memref_slice %arg19[%add3A_37, %dma_start3A_162] : memref<10112x128xf32, #tpu.memory_space<vmem_shared>> -> memref<40x128xf32, #tpu.memory_space<vmem_shared>>
      tpu.enqueue_dma source(%arg17 : memref<40x128xf32, #tpu.memory_space<vmem>>) target(%dma_start3A_163 : memref<40x128xf32, #tpu.memory_space<vmem_shared>>) target_semaphore(%run_scoped3A : memref<!tpu.dma_semaphore, #tpu.memory_space<semaphore_mem>>)
      %dma_wait3A_164 = arith.constant 0 : i32
      %dma_wait3A_165 = tpu.memref_slice %arg19[%add3A_37, %dma_wait3A_164] : memref<10112x128xf32, #tpu.memory_space<vmem_shared>> -> memref<40x128xf32, #tpu.memory_space<vmem_shared>>
      %dma_wait3A_166 = arith.constant 0 : i32
      %dma_wait3A_167 = tpu.memref_slice %arg19[%add3A_37, %dma_wait3A_166] : memref<10112x128xf32, #tpu.memory_space<vmem_shared>> -> memref<40x128xf32, #tpu.memory_space<vmem_shared>>
      tpu.wait_dma2 semaphore(%run_scoped3A : memref<!tpu.dma_semaphore, #tpu.memory_space<semaphore_mem>>) src(%arg17 : memref<40x128xf32, #tpu.memory_space<vmem>>) dst(%dma_wait3A_167 : memref<40x128xf32, #tpu.memory_space<vmem_shared>>)
      tpu.yield
    }) : () -> ()
    %add3A_38 = arith.constant 520 : i32
    %add3A_39 = arith.addi %mul3A_11, %add3A_38 : i32
    "tpu.region"() ({
      %run_scoped3A = tpu.sem_alloc : memref<!tpu.dma_semaphore, #tpu.memory_space<semaphore_mem>>
      %dma_start3A_160 = arith.constant 0 : i32
      %dma_start3A_161 = tpu.memref_slice %arg19[%add3A_39, %dma_start3A_160] : memref<10112x128xf32, #tpu.memory_space<vmem_shared>> -> memref<40x128xf32, #tpu.memory_space<vmem_shared>>
      %dma_start3A_162 = arith.constant 0 : i32
      %dma_start3A_163 = tpu.memref_slice %arg19[%add3A_39, %dma_start3A_162] : memref<10112x128xf32, #tpu.memory_space<vmem_shared>> -> memref<40x128xf32, #tpu.memory_space<vmem_shared>>
      tpu.enqueue_dma source(%arg17 : memref<40x128xf32, #tpu.memory_space<vmem>>) target(%dma_start3A_163 : memref<40x128xf32, #tpu.memory_space<vmem_shared>>) target_semaphore(%run_scoped3A : memref<!tpu.dma_semaphore, #tpu.memory_space<semaphore_mem>>)
      %dma_wait3A_164 = arith.constant 0 : i32
      %dma_wait3A_165 = tpu.memref_slice %arg19[%add3A_39, %dma_wait3A_164] : memref<10112x128xf32, #tpu.memory_space<vmem_shared>> -> memref<40x128xf32, #tpu.memory_space<vmem_shared>>
      %dma_wait3A_166 = arith.constant 0 : i32
      %dma_wait3A_167 = tpu.memref_slice %arg19[%add3A_39, %dma_wait3A_166] : memref<10112x128xf32, #tpu.memory_space<vmem_shared>> -> memref<40x128xf32, #tpu.memory_space<vmem_shared>>
      tpu.wait_dma2 semaphore(%run_scoped3A : memref<!tpu.dma_semaphore, #tpu.memory_space<semaphore_mem>>) src(%arg17 : memref<40x128xf32, #tpu.memory_space<vmem>>) dst(%dma_wait3A_167 : memref<40x128xf32, #tpu.memory_space<vmem_shared>>)
      tpu.yield
    }) : () -> ()
    %add3A_40 = arith.constant 560 : i32
    %add3A_41 = arith.addi %mul3A_11, %add3A_40 : i32
    "tpu.region"() ({
      %run_scoped3A = tpu.sem_alloc : memref<!tpu.dma_semaphore, #tpu.memory_space<semaphore_mem>>
      %dma_start3A_160 = arith.constant 0 : i32
      %dma_start3A_161 = tpu.memref_slice %arg19[%add3A_41, %dma_start3A_160] : memref<10112x128xf32, #tpu.memory_space<vmem_shared>> -> memref<40x128xf32, #tpu.memory_space<vmem_shared>>
      %dma_start3A_162 = arith.constant 0 : i32
      %dma_start3A_163 = tpu.memref_slice %arg19[%add3A_41, %dma_start3A_162] : memref<10112x128xf32, #tpu.memory_space<vmem_shared>> -> memref<40x128xf32, #tpu.memory_space<vmem_shared>>
      tpu.enqueue_dma source(%arg17 : memref<40x128xf32, #tpu.memory_space<vmem>>) target(%dma_start3A_163 : memref<40x128xf32, #tpu.memory_space<vmem_shared>>) target_semaphore(%run_scoped3A : memref<!tpu.dma_semaphore, #tpu.memory_space<semaphore_mem>>)
      %dma_wait3A_164 = arith.constant 0 : i32
      %dma_wait3A_165 = tpu.memref_slice %arg19[%add3A_41, %dma_wait3A_164] : memref<10112x128xf32, #tpu.memory_space<vmem_shared>> -> memref<40x128xf32, #tpu.memory_space<vmem_shared>>
      %dma_wait3A_166 = arith.constant 0 : i32
      %dma_wait3A_167 = tpu.memref_slice %arg19[%add3A_41, %dma_wait3A_166] : memref<10112x128xf32, #tpu.memory_space<vmem_shared>> -> memref<40x128xf32, #tpu.memory_space<vmem_shared>>
      tpu.wait_dma2 semaphore(%run_scoped3A : memref<!tpu.dma_semaphore, #tpu.memory_space<semaphore_mem>>) src(%arg17 : memref<40x128xf32, #tpu.memory_space<vmem>>) dst(%dma_wait3A_167 : memref<40x128xf32, #tpu.memory_space<vmem_shared>>)
      tpu.yield
    }) : () -> ()
    %add3A_42 = arith.constant 600 : i32
    %add3A_43 = arith.addi %mul3A_11, %add3A_42 : i32
    "tpu.region"() ({
      %run_scoped3A = tpu.sem_alloc : memref<!tpu.dma_semaphore, #tpu.memory_space<semaphore_mem>>
      %dma_start3A_160 = arith.constant 0 : i32
      %dma_start3A_161 = arith.constant 0 : i32
      %dma_start3A_162 = tpu.memref_slice %arg17[%dma_start3A_160, %dma_start3A_161] : memref<40x128xf32, #tpu.memory_space<vmem>> -> memref<32x128xf32, #tpu.memory_space<vmem>>
      %dma_start3A_163 = arith.constant 0 : i32
      %dma_start3A_164 = tpu.memref_slice %arg19[%add3A_43, %dma_start3A_163] : memref<10112x128xf32, #tpu.memory_space<vmem_shared>> -> memref<32x128xf32, #tpu.memory_space<vmem_shared>>
      %dma_start3A_165 = arith.constant 0 : i32
      %dma_start3A_166 = tpu.memref_slice %arg19[%add3A_43, %dma_start3A_165] : memref<10112x128xf32, #tpu.memory_space<vmem_shared>> -> memref<32x128xf32, #tpu.memory_space<vmem_shared>>
      %dma_start3A_167 = arith.constant 0 : i32
      %dma_start3A_168 = arith.constant 0 : i32
      %dma_start3A_169 = tpu.memref_slice %arg17[%dma_start3A_167, %dma_start3A_168] : memref<40x128xf32, #tpu.memory_space<vmem>> -> memref<32x128xf32, #tpu.memory_space<vmem>>
      tpu.enqueue_dma source(%dma_start3A_169 : memref<32x128xf32, #tpu.memory_space<vmem>>) target(%dma_start3A_166 : memref<32x128xf32, #tpu.memory_space<vmem_shared>>) target_semaphore(%run_scoped3A : memref<!tpu.dma_semaphore, #tpu.memory_space<semaphore_mem>>)
      %dma_wait3A_170 = arith.constant 0 : i32
      %dma_wait3A_171 = arith.constant 0 : i32
      %dma_wait3A_172 = tpu.memref_slice %arg17[%dma_wait3A_170, %dma_wait3A_171] : memref<40x128xf32, #tpu.memory_space<vmem>> -> memref<32x128xf32, #tpu.memory_space<vmem>>
      %dma_wait3A_173 = arith.constant 0 : i32
      %dma_wait3A_174 = tpu.memref_slice %arg19[%add3A_43, %dma_wait3A_173] : memref<10112x128xf32, #tpu.memory_space<vmem_shared>> -> memref<32x128xf32, #tpu.memory_space<vmem_shared>>
      %dma_wait3A_175 = arith.constant 0 : i32
      %dma_wait3A_176 = tpu.memref_slice %arg19[%add3A_43, %dma_wait3A_175] : memref<10112x128xf32, #tpu.memory_space<vmem_shared>> -> memref<32x128xf32, #tpu.memory_space<vmem_shared>>
      %dma_wait3A_177 = arith.constant 0 : i32
      %dma_wait3A_178 = arith.constant 0 : i32
      %dma_wait3A_179 = tpu.memref_slice %arg17[%dma_wait3A_177, %dma_wait3A_178] : memref<40x128xf32, #tpu.memory_space<vmem>> -> memref<32x128xf32, #tpu.memory_space<vmem>>
      tpu.wait_dma2 semaphore(%run_scoped3A : memref<!tpu.dma_semaphore, #tpu.memory_space<semaphore_mem>>) src(%dma_wait3A_179 : memref<32x128xf32, #tpu.memory_space<vmem>>) dst(%dma_wait3A_176 : memref<32x128xf32, #tpu.memory_space<vmem_shared>>)
      tpu.yield
    }) : () -> ()
    %mul3A_44 = arith.constant 10000 : i32
    %mul3A_45 = arith.muli %add3A, %mul3A_44 : i32
    %dma_wait3A = tpu.memref_slice %arg4[%mul3A_45] : memref<320000xi32, #tpu.memory_space<hbm>> -> memref<10000xi32, #tpu.memory_space<hbm>>
    %dma_wait3A_46 = tpu.memref_slice %arg4[%mul3A_45] : memref<320000xi32, #tpu.memory_space<hbm>> -> memref<10000xi32, #tpu.memory_space<hbm>>
    tpu.wait_dma2 semaphore(%arg26 : memref<!tpu.dma_semaphore, #tpu.memory_space<semaphore_mem>>) src(%dma_wait3A_46 : memref<10000xi32, #tpu.memory_space<hbm>>) dst(%arg6 : memref<10000xi32, #tpu.memory_space<vmem>>)
    %barrier3A = arith.constant 0 : index
    tpu.barrier barrier_id(%barrier3A)
    %broadcast_in_dim3A_47 = arith.constant 16383 : i32
    %broadcast_in_dim3A_48 = vector.broadcast %broadcast_in_dim3A_47 : i32 to vector<16xi32>
    %get3A = arith.constant 0 : index
    %get3A_49 = tpu.vector_load %arg6[%get3A] {strides = array<i32>} : memref<10000xi32, #tpu.memory_space<vmem>>, vector<16xi32>,
    %get3A_50 = vector.shape_cast %get3A_49 : vector<16xi32> to vector<16xi32>
    %and3A = arith.andi %get3A_50, %broadcast_in_dim3A_48 : vector<16xi32>
    %swap3A = arith.constant 0 : index
    %swap3A_51 = tpu.vector_load %arg7[%swap3A] {strides = array<i32>} : memref<40xi32, #tpu.memory_space<vmem>>, vector<16xi32>,
    %swap3A_52 = vector.shape_cast %swap3A_51 : vector<16xi32> to vector<16xi32>
    %swap3A_53 = vector.shape_cast %and3A : vector<16xi32> to vector<16xi32>
    tpu.vector_store %arg7[%swap3A], %swap3A_53 {strides = array<i32>} : memref<40xi32, #tpu.memory_space<vmem>>, vector<16xi32>,
    %shift_right_logical3A = arith.constant 14 : i32
    %shift_right_logical3A_54 = vector.broadcast %shift_right_logical3A : i32 to vector<16xi32>
    %shift_right_logical3A_55 = arith.shrui %get3A_50, %shift_right_logical3A_54 : vector<16xi32>
    %swap3A_56 = arith.constant 0 : index
    %swap3A_57 = tpu.vector_load %arg9[%swap3A_56] {strides = array<i32>} : memref<40xi32, #tpu.memory_space<vmem>>, vector<16xi32>,
    %swap3A_58 = vector.shape_cast %swap3A_57 : vector<16xi32> to vector<16xi32>
    %swap3A_59 = vector.shape_cast %shift_right_logical3A_55 : vector<16xi32> to vector<16xi32>
    tpu.vector_store %arg9[%swap3A_56], %swap3A_59 {strides = array<i32>} : memref<40xi32, #tpu.memory_space<vmem>>, vector<16xi32>,
    %get3A_60 = arith.constant 16 : index
    %get3A_61 = tpu.vector_load %arg6[%get3A_60] {strides = array<i32>} : memref<10000xi32, #tpu.memory_space<vmem>>, vector<16xi32>,
    %get3A_62 = vector.shape_cast %get3A_61 : vector<16xi32> to vector<16xi32>
    %and3A_63 = arith.andi %get3A_62, %broadcast_in_dim3A_48 : vector<16xi32>
    %swap3A_64 = arith.constant 16 : index
    %swap3A_65 = tpu.vector_load %arg7[%swap3A_64] {strides = array<i32>} : memref<40xi32, #tpu.memory_space<vmem>>, vector<16xi32>,
    %swap3A_66 = vector.shape_cast %swap3A_65 : vector<16xi32> to vector<16xi32>
    %swap3A_67 = vector.shape_cast %and3A_63 : vector<16xi32> to vector<16xi32>
    tpu.vector_store %arg7[%swap3A_64], %swap3A_67 {strides = array<i32>} : memref<40xi32, #tpu.memory_space<vmem>>, vector<16xi32>,
    %shift_right_logical3A_68 = arith.constant 14 : i32
    %shift_right_logical3A_69 = vector.broadcast %shift_right_logical3A_68 : i32 to vector<16xi32>
    %shift_right_logical3A_70 = arith.shrui %get3A_62, %shift_right_logical3A_69 : vector<16xi32>
    %swap3A_71 = arith.constant 16 : index
    %swap3A_72 = tpu.vector_load %arg9[%swap3A_71] {strides = array<i32>} : memref<40xi32, #tpu.memory_space<vmem>>, vector<16xi32>,
    %swap3A_73 = vector.shape_cast %swap3A_72 : vector<16xi32> to vector<16xi32>
    %swap3A_74 = vector.shape_cast %shift_right_logical3A_70 : vector<16xi32> to vector<16xi32>
    tpu.vector_store %arg9[%swap3A_71], %swap3A_74 {strides = array<i32>} : memref<40xi32, #tpu.memory_space<vmem>>, vector<16xi32>,
    %get3A_75 = arith.constant 24 : index
    %get3A_76 = tpu.vector_load %arg6[%get3A_75] {strides = array<i32>} : memref<10000xi32, #tpu.memory_space<vmem>>, vector<16xi32>,
    %get3A_77 = vector.shape_cast %get3A_76 : vector<16xi32> to vector<16xi32>
    %and3A_78 = arith.andi %get3A_77, %broadcast_in_dim3A_48 : vector<16xi32>
    %swap3A_79 = arith.constant 24 : index
    %swap3A_80 = tpu.vector_load %arg7[%swap3A_79] {strides = array<i32>} : memref<40xi32, #tpu.memory_space<vmem>>, vector<16xi32>,
    %swap3A_81 = vector.shape_cast %swap3A_80 : vector<16xi32> to vector<16xi32>
    %swap3A_82 = vector.shape_cast %and3A_78 : vector<16xi32> to vector<16xi32>
    tpu.vector_store %arg7[%swap3A_79], %swap3A_82 {strides = array<i32>} : memref<40xi32, #tpu.memory_space<vmem>>, vector<16xi32>,
    %shift_right_logical3A_83 = arith.constant 14 : i32
    %shift_right_logical3A_84 = vector.broadcast %shift_right_logical3A_83 : i32 to vector<16xi32>
    %shift_right_logical3A_85 = arith.shrui %get3A_77, %shift_right_logical3A_84 : vector<16xi32>
    %swap3A_86 = arith.constant 24 : index
    %swap3A_87 = tpu.vector_load %arg9[%swap3A_86] {strides = array<i32>} : memref<40xi32, #tpu.memory_space<vmem>>, vector<16xi32>,
    %swap3A_88 = vector.shape_cast %swap3A_87 : vector<16xi32> to vector<16xi32>
    %swap3A_89 = vector.shape_cast %shift_right_logical3A_85 : vector<16xi32> to vector<16xi32>
    tpu.vector_store %arg9[%swap3A_86], %swap3A_89 {strides = array<i32>} : memref<40xi32, #tpu.memory_space<vmem>>, vector<16xi32>,
    %get3A_90 = arith.constant 40 : index
    %get3A_91 = tpu.vector_load %arg6[%get3A_90] {strides = array<i32>} : memref<10000xi32, #tpu.memory_space<vmem>>, vector<16xi32>,
    %get3A_92 = vector.shape_cast %get3A_91 : vector<16xi32> to vector<16xi32>
    %and3A_93 = arith.andi %get3A_92, %broadcast_in_dim3A_48 : vector<16xi32>
    %swap3A_94 = arith.constant 0 : index
    %swap3A_95 = tpu.vector_load %arg8[%swap3A_94] {strides = array<i32>} : memref<40xi32, #tpu.memory_space<vmem>>, vector<16xi32>,
    %swap3A_96 = vector.shape_cast %swap3A_95 : vector<16xi32> to vector<16xi32>
    %swap3A_97 = vector.shape_cast %and3A_93 : vector<16xi32> to vector<16xi32>
    tpu.vector_store %arg8[%swap3A_94], %swap3A_97 {strides = array<i32>} : memref<40xi32, #tpu.memory_space<vmem>>, vector<16xi32>,
    %shift_right_logical3A_98 = arith.constant 14 : i32
    %shift_right_logical3A_99 = vector.broadcast %shift_right_logical3A_98 : i32 to vector<16xi32>
    %shift_right_logical3A_100 = arith.shrui %get3A_92, %shift_right_logical3A_99 : vector<16xi32>
    %swap3A_101 = arith.constant 0 : index
    %swap3A_102 = tpu.vector_load %arg10[%swap3A_101] {strides = array<i32>} : memref<40xi32, #tpu.memory_space<vmem>>, vector<16xi32>,
    %swap3A_103 = vector.shape_cast %swap3A_102 : vector<16xi32> to vector<16xi32>
    %swap3A_104 = vector.shape_cast %shift_right_logical3A_100 : vector<16xi32> to vector<16xi32>
    tpu.vector_store %arg10[%swap3A_101], %swap3A_104 {strides = array<i32>} : memref<40xi32, #tpu.memory_space<vmem>>, vector<16xi32>,
    %get3A_105 = arith.constant 56 : index
    %get3A_106 = tpu.vector_load %arg6[%get3A_105] {strides = array<i32>} : memref<10000xi32, #tpu.memory_space<vmem>>, vector<16xi32>,
    %get3A_107 = vector.shape_cast %get3A_106 : vector<16xi32> to vector<16xi32>
    %and3A_108 = arith.andi %get3A_107, %broadcast_in_dim3A_48 : vector<16xi32>
    %swap3A_109 = arith.constant 16 : index
    %swap3A_110 = tpu.vector_load %arg8[%swap3A_109] {strides = array<i32>} : memref<40xi32, #tpu.memory_space<vmem>>, vector<16xi32>,
    %swap3A_111 = vector.shape_cast %swap3A_110 : vector<16xi32> to vector<16xi32>
    %swap3A_112 = vector.shape_cast %and3A_108 : vector<16xi32> to vector<16xi32>
    tpu.vector_store %arg8[%swap3A_109], %swap3A_112 {strides = array<i32>} : memref<40xi32, #tpu.memory_space<vmem>>, vector<16xi32>,
    %shift_right_logical3A_113 = arith.constant 14 : i32
    %shift_right_logical3A_114 = vector.broadcast %shift_right_logical3A_113 : i32 to vector<16xi32>
    %shift_right_logical3A_115 = arith.shrui %get3A_107, %shift_right_logical3A_114 : vector<16xi32>
    %swap3A_116 = arith.constant 16 : index
    %swap3A_117 = tpu.vector_load %arg10[%swap3A_116] {strides = array<i32>} : memref<40xi32, #tpu.memory_space<vmem>>, vector<16xi32>,
    %swap3A_118 = vector.shape_cast %swap3A_117 : vector<16xi32> to vector<16xi32>
    %swap3A_119 = vector.shape_cast %shift_right_logical3A_115 : vector<16xi32> to vector<16xi32>
    tpu.vector_store %arg10[%swap3A_116], %swap3A_119 {strides = array<i32>} : memref<40xi32, #tpu.memory_space<vmem>>, vector<16xi32>,
    %get3A_120 = arith.constant 64 : index
    %get3A_121 = tpu.vector_load %arg6[%get3A_120] {strides = array<i32>} : memref<10000xi32, #tpu.memory_space<vmem>>, vector<16xi32>,
    %get3A_122 = vector.shape_cast %get3A_121 : vector<16xi32> to vector<16xi32>
    %and3A_123 = arith.andi %get3A_122, %broadcast_in_dim3A_48 : vector<16xi32>
    %swap3A_124 = arith.constant 24 : index
    %swap3A_125 = tpu.vector_load %arg8[%swap3A_124] {strides = array<i32>} : memref<40xi32, #tpu.memory_space<vmem>>, vector<16xi32>,
    %swap3A_126 = vector.shape_cast %swap3A_125 : vector<16xi32> to vector<16xi32>
    %swap3A_127 = vector.shape_cast %and3A_123 : vector<16xi32> to vector<16xi32>
    tpu.vector_store %arg8[%swap3A_124], %swap3A_127 {strides = array<i32>} : memref<40xi32, #tpu.memory_space<vmem>>, vector<16xi32>,
    %shift_right_logical3A_128 = arith.constant 14 : i32
    %shift_right_logical3A_129 = vector.broadcast %shift_right_logical3A_128 : i32 to vector<16xi32>
    %shift_right_logical3A_130 = arith.shrui %get3A_122, %shift_right_logical3A_129 : vector<16xi32>
    %swap3A_131 = arith.constant 24 : index
    %swap3A_132 = tpu.vector_load %arg10[%swap3A_131] {strides = array<i32>} : memref<40xi32, #tpu.memory_space<vmem>>, vector<16xi32>,
    %swap3A_133 = vector.shape_cast %swap3A_132 : vector<16xi32> to vector<16xi32>
    %swap3A_134 = vector.shape_cast %shift_right_logical3A_130 : vector<16xi32> to vector<16xi32>
    tpu.vector_store %arg10[%swap3A_131], %swap3A_134 {strides = array<i32>} : memref<40xi32, #tpu.memory_space<vmem>>, vector<16xi32>,
    %dma_start3A_135 = arith.constant 0 : i32
    %dma_start3A_136 = arith.constant 0 : i32
    %dma_start3A_137 = tpu.memref_slice %arg2[%dma_start3A_135, %dma_start3A_136] : memref<10000x128xf32, #tpu.memory_space<hbm>> -> memref<10000x128xf32, #tpu.memory_space<hbm>>
    tpu.enqueue_indirect_dma source(%dma_start3A_137 : memref<10000x128xf32, #tpu.memory_space<hbm>>) target(%arg13 : memref<40x128xf32, #tpu.memory_space<vmem>>) offsets(%arg7 : memref<40xi32, #tpu.memory_space<vmem>>) semaphore(%arg20 : memref<!tpu.dma_semaphore, #tpu.memory_space<semaphore_mem>>)
    %dma_start3A_138 = arith.constant 0 : i32
    %dma_start3A_139 = arith.constant 0 : i32
    %dma_start3A_140 = tpu.memref_slice %arg3[%dma_start3A_138, %dma_start3A_139] : memref<10000x128xf32, #tpu.memory_space<hbm>> -> memref<10000x128xf32, #tpu.memory_space<hbm>>
    tpu.enqueue_indirect_dma source(%dma_start3A_140 : memref<10000x128xf32, #tpu.memory_space<hbm>>) target(%arg14 : memref<40x128xf32, #tpu.memory_space<vmem>>) offsets(%arg9 : memref<40xi32, #tpu.memory_space<vmem>>) semaphore(%arg21 : memref<!tpu.dma_semaphore, #tpu.memory_space<semaphore_mem>>)
    %dma_start3A_141 = arith.constant 0 : i32
    %dma_start3A_142 = arith.constant 0 : i32
    %dma_start3A_143 = tpu.memref_slice %arg2[%dma_start3A_141, %dma_start3A_142] : memref<10000x128xf32, #tpu.memory_space<hbm>> -> memref<10000x128xf32, #tpu.memory_space<hbm>>
    tpu.enqueue_indirect_dma source(%dma_start3A_143 : memref<10000x128xf32, #tpu.memory_space<hbm>>) target(%arg15 : memref<40x128xf32, #tpu.memory_space<vmem>>) offsets(%arg8 : memref<40xi32, #tpu.memory_space<vmem>>) semaphore(%arg22 : memref<!tpu.dma_semaphore, #tpu.memory_space<semaphore_mem>>)
    %dma_start3A_144 = arith.constant 0 : i32
    %dma_start3A_145 = arith.constant 0 : i32
    %dma_start3A_146 = tpu.memref_slice %arg3[%dma_start3A_144, %dma_start3A_145] : memref<10000x128xf32, #tpu.memory_space<hbm>> -> memref<10000x128xf32, #tpu.memory_space<hbm>>
    tpu.enqueue_indirect_dma source(%dma_start3A_146 : memref<10000x128xf32, #tpu.memory_space<hbm>>) target(%arg16 : memref<40x128xf32, #tpu.memory_space<vmem>>) offsets(%arg10 : memref<40xi32, #tpu.memory_space<vmem>>) semaphore(%arg23 : memref<!tpu.dma_semaphore, #tpu.memory_space<semaphore_mem>>)
    %scan3A_147 = arith.constant 0 : i32
    %scan3A_148 = arith.constant 0 : i32
    %scan3A_149 = arith.constant 125 : i32
    %scan3A_150 = arith.addi %scan3A_148, %scan3A_149 : i32
    %scan3A_151 = arith.constant 1 : i32
    scf.for %scan3A_160 = %scan3A_148 to %scan3A_150 step %scan3A_151  : i32 {
      %mul3A_161 = arith.constant 2 : i32
      %mul3A_162 = arith.muli %mul3A_161, %scan3A_160 : i32
      %dma_wait3A_163 = arith.constant 0 : i32
      %dma_wait3A_164 = arith.constant 0 : i32
      %dma_wait3A_165 = tpu.memref_slice %arg2[%dma_wait3A_163, %dma_wait3A_164] : memref<10000x128xf32, #tpu.memory_space<hbm>> -> memref<10000x128xf32, #tpu.memory_space<hbm>>
      tpu.wait_indirect_dma semaphore(%arg20 : memref<!tpu.dma_semaphore, #tpu.memory_space<semaphore_mem>>) src(%dma_wait3A_165 : memref<10000x128xf32, #tpu.memory_space<hbm>>) dst(%arg13 : memref<40x128xf32, #tpu.memory_space<vmem>>)
      %dma_wait3A_166 = arith.constant 0 : i32
      %dma_wait3A_167 = arith.constant 0 : i32
      %dma_wait3A_168 = tpu.memref_slice %arg3[%dma_wait3A_166, %dma_wait3A_167] : memref<10000x128xf32, #tpu.memory_space<hbm>> -> memref<10000x128xf32, #tpu.memory_space<hbm>>
      tpu.wait_indirect_dma semaphore(%arg21 : memref<!tpu.dma_semaphore, #tpu.memory_space<semaphore_mem>>) src(%dma_wait3A_168 : memref<10000x128xf32, #tpu.memory_space<hbm>>) dst(%arg14 : memref<40x128xf32, #tpu.memory_space<vmem>>)
      %ge3A = arith.constant 2 : i32
      %ge3A_169 = arith.cmpi sge, %mul3A_162, %ge3A : i32
      %convert_element_type3A = arith.extui %ge3A_169 : i1 to i32
      %cond3A = arith.constant 0 : i32
      %cond3A_170 = arith.cmpi ne, %convert_element_type3A, %cond3A : i32
      scf.if %cond3A_170 {
        %dma_wait3A_301 = arith.constant 0 : i32
        %dma_wait3A_302 = arith.constant 0 : i32
        %dma_wait3A_303 = tpu.memref_slice %arg19[%dma_wait3A_301, %dma_wait3A_302] : memref<10112x128xf32, #tpu.memory_space<vmem_shared>> -> memref<10112x128xf32, #tpu.memory_space<vmem_shared>>
        tpu.wait_indirect_dma semaphore(%arg24 : memref<!tpu.dma_semaphore, #tpu.memory_space<semaphore_mem>>) src(%arg17 : memref<40x128xf32, #tpu.memory_space<vmem>>) dst(%dma_wait3A_303 : memref<10112x128xf32, #tpu.memory_space<vmem_shared>>)
      } else {
      }
      %mul3A_171 = arith.constant 40 : i32
      %mul3A_172 = arith.muli %mul3A_162, %mul3A_171 : i32
      %add3A_173 = arith.constant 0 : i32
      %add3A_174 = arith.addi %mul3A_172, %add3A_173 : i32
      %get3A_175 = arith.index_cast %add3A_174 : i32 to index
      %get3A_176 = tpu.vector_load %arg6[%get3A_175] {strides = array<i32>} : memref<10000xi32, #tpu.memory_space<vmem>>, vector<16xi32>,
      %get3A_177 = vector.shape_cast %get3A_176 : vector<16xi32> to vector<16xi32>
      %shift_right_logical3A_178 = arith.constant 14 : i32
      %shift_right_logical3A_179 = vector.broadcast %shift_right_logical3A_178 : i32 to vector<16xi32>
      %shift_right_logical3A_180 = arith.shrui %get3A_177, %shift_right_logical3A_179 : vector<16xi32>
      %swap3A_181 = arith.constant 0 : index
      %swap3A_182 = tpu.vector_load %arg11[%swap3A_181] {strides = array<i32>} : memref<40xi32, #tpu.memory_space<vmem>>, vector<16xi32>,
      %swap3A_183 = vector.shape_cast %swap3A_182 : vector<16xi32> to vector<16xi32>
      %swap3A_184 = vector.shape_cast %shift_right_logical3A_180 : vector<16xi32> to vector<16xi32>
      tpu.vector_store %arg11[%swap3A_181], %swap3A_184 {strides = array<i32>} : memref<40xi32, #tpu.memory_space<vmem>>, vector<16xi32>,
      %mul3A_185 = arith.constant 40 : i32
      %mul3A_186 = arith.muli %mul3A_162, %mul3A_185 : i32
      %add3A_187 = arith.constant 16 : i32
      %add3A_188 = arith.addi %mul3A_186, %add3A_187 : i32
      %get3A_189 = arith.index_cast %add3A_188 : i32 to index
      %get3A_190 = tpu.vector_load %arg6[%get3A_189] {strides = array<i32>} : memref<10000xi32, #tpu.memory_space<vmem>>, vector<16xi32>,
      %get3A_191 = vector.shape_cast %get3A_190 : vector<16xi32> to vector<16xi32>
      %shift_right_logical3A_192 = arith.constant 14 : i32
      %shift_right_logical3A_193 = vector.broadcast %shift_right_logical3A_192 : i32 to vector<16xi32>
      %shift_right_logical3A_194 = arith.shrui %get3A_191, %shift_right_logical3A_193 : vector<16xi32>
      %swap3A_195 = arith.constant 16 : index
      %swap3A_196 = tpu.vector_load %arg11[%swap3A_195] {strides = array<i32>} : memref<40xi32, #tpu.memory_space<vmem>>, vector<16xi32>,
      %swap3A_197 = vector.shape_cast %swap3A_196 : vector<16xi32> to vector<16xi32>
      %swap3A_198 = vector.shape_cast %shift_right_logical3A_194 : vector<16xi32> to vector<16xi32>
      tpu.vector_store %arg11[%swap3A_195], %swap3A_198 {strides = array<i32>} : memref<40xi32, #tpu.memory_space<vmem>>, vector<16xi32>,
      %mul3A_199 = arith.constant 40 : i32
      %mul3A_200 = arith.muli %mul3A_162, %mul3A_199 : i32
      %add3A_201 = arith.constant 24 : i32
      %add3A_202 = arith.addi %mul3A_200, %add3A_201 : i32
      %get3A_203 = arith.index_cast %add3A_202 : i32 to index
      %get3A_204 = tpu.vector_load %arg6[%get3A_203] {strides = array<i32>} : memref<10000xi32, #tpu.memory_space<vmem>>, vector<16xi32>,
      %get3A_205 = vector.shape_cast %get3A_204 : vector<16xi32> to vector<16xi32>
      %shift_right_logical3A_206 = arith.constant 14 : i32
      %shift_right_logical3A_207 = vector.broadcast %shift_right_logical3A_206 : i32 to vector<16xi32>
      %shift_right_logical3A_208 = arith.shrui %get3A_205, %shift_right_logical3A_207 : vector<16xi32>
      %swap3A_209 = arith.constant 24 : index
      %swap3A_210 = tpu.vector_load %arg11[%swap3A_209] {strides = array<i32>} : memref<40xi32, #tpu.memory_space<vmem>>, vector<16xi32>,
      %swap3A_211 = vector.shape_cast %swap3A_210 : vector<16xi32> to vector<16xi32>
      %swap3A_212 = vector.shape_cast %shift_right_logical3A_208 : vector<16xi32> to vector<16xi32>
      tpu.vector_store %arg11[%swap3A_209], %swap3A_212 {strides = array<i32>} : memref<40xi32, #tpu.memory_space<vmem>>, vector<16xi32>,
      %scan3A_213 = arith.constant 0 : i32
      %scan3A_214 = arith.constant 0 : i32
      %scan3A_215 = arith.constant 20 : i32
      %scan3A_216 = arith.addi %scan3A_214, %scan3A_215 : i32
      %scan3A_217 = arith.constant 1 : i32
      scf.for %scan3A_301 = %scan3A_214 to %scan3A_216 step %scan3A_217  : i32 {
        %mul3A_302 = arith.constant 2 : i32
        %mul3A_303 = arith.muli %scan3A_301, %mul3A_302 : i32
        %add3A_304 = arith.constant 0 : i32
        %add3A_305 = arith.addi %mul3A_303, %add3A_304 : i32
        %get3A_306 = arith.index_cast %add3A_305 : i32 to index
        %get3A_307 = arith.constant 0 : index
        %get3A_308 = tpu.vector_load %arg13[%get3A_306, %get3A_307] {strides = array<i32>} : memref<40x128xf32, #tpu.memory_space<vmem>>, vector<1x16xf32>,
        %get3A_309 = vector.shape_cast %get3A_308 : vector<1x16xf32> to vector<16xf32>
        %get3A_310 = arith.index_cast %add3A_305 : i32 to index
        %get3A_311 = arith.constant 0 : index
        %get3A_312 = tpu.vector_load %arg14[%get3A_310, %get3A_311] {strides = array<i32>} : memref<40x128xf32, #tpu.memory_space<vmem>>, vector<1x16xf32>,
        %get3A_313 = vector.shape_cast %get3A_312 : vector<1x16xf32> to vector<16xf32>
        %add3A_314 = arith.addf %get3A_309, %get3A_313 : vector<16xf32>
        %max3A = arith.constant 0.000000e+00 : f32
        %max3A_315 = vector.broadcast %max3A : f32 to vector<16xf32>
        %max3A_316 = arith.maximumf %add3A_314, %max3A_315 : vector<16xf32>
        %swap3A_317 = arith.index_cast %add3A_305 : i32 to index
        %swap3A_318 = arith.constant 0 : index
        %swap3A_319 = tpu.vector_load %arg17[%swap3A_317, %swap3A_318] {strides = array<i32>} : memref<40x128xf32, #tpu.memory_space<vmem>>, vector<1x16xf32>,
        %swap3A_320 = vector.shape_cast %swap3A_319 : vector<1x16xf32> to vector<16xf32>
        %swap3A_321 = vector.shape_cast %max3A_316 : vector<16xf32> to vector<1x16xf32>
        tpu.vector_store %arg17[%swap3A_317, %swap3A_318], %swap3A_321 {strides = array<i32>} : memref<40x128xf32, #tpu.memory_space<vmem>>, vector<1x16xf32>,
        %get3A_322 = arith.index_cast %add3A_305 : i32 to index
        %get3A_323 = arith.constant 16 : index
        %get3A_324 = tpu.vector_load %arg13[%get3A_322, %get3A_323] {strides = array<i32>} : memref<40x128xf32, #tpu.memory_space<vmem>>, vector<1x16xf32>,
        %get3A_325 = vector.shape_cast %get3A_324 : vector<1x16xf32> to vector<16xf32>
        %get3A_326 = arith.index_cast %add3A_305 : i32 to index
        %get3A_327 = arith.constant 16 : index
        %get3A_328 = tpu.vector_load %arg14[%get3A_326, %get3A_327] {strides = array<i32>} : memref<40x128xf32, #tpu.memory_space<vmem>>, vector<1x16xf32>,
        %get3A_329 = vector.shape_cast %get3A_328 : vector<1x16xf32> to vector<16xf32>
        %add3A_330 = arith.addf %get3A_325, %get3A_329 : vector<16xf32>
        %max3A_331 = arith.constant 0.000000e+00 : f32
        %max3A_332 = vector.broadcast %max3A_331 : f32 to vector<16xf32>
        %max3A_333 = arith.maximumf %add3A_330, %max3A_332 : vector<16xf32>
        %swap3A_334 = arith.index_cast %add3A_305 : i32 to index
        %swap3A_335 = arith.constant 16 : index
        %swap3A_336 = tpu.vector_load %arg17[%swap3A_334, %swap3A_335] {strides = array<i32>} : memref<40x128xf32, #tpu.memory_space<vmem>>, vector<1x16xf32>,
        %swap3A_337 = vector.shape_cast %swap3A_336 : vector<1x16xf32> to vector<16xf32>
        %swap3A_338 = vector.shape_cast %max3A_333 : vector<16xf32> to vector<1x16xf32>
        tpu.vector_store %arg17[%swap3A_334, %swap3A_335], %swap3A_338 {strides = array<i32>} : memref<40x128xf32, #tpu.memory_space<vmem>>, vector<1x16xf32>,
        %get3A_339 = arith.index_cast %add3A_305 : i32 to index
        %get3A_340 = arith.constant 32 : index
        %get3A_341 = tpu.vector_load %arg13[%get3A_339, %get3A_340] {strides = array<i32>} : memref<40x128xf32, #tpu.memory_space<vmem>>, vector<1x16xf32>,
        %get3A_342 = vector.shape_cast %get3A_341 : vector<1x16xf32> to vector<16xf32>
        %get3A_343 = arith.index_cast %add3A_305 : i32 to index
        %get3A_344 = arith.constant 32 : index
        %get3A_345 = tpu.vector_load %arg14[%get3A_343, %get3A_344] {strides = array<i32>} : memref<40x128xf32, #tpu.memory_space<vmem>>, vector<1x16xf32>,
        %get3A_346 = vector.shape_cast %get3A_345 : vector<1x16xf32> to vector<16xf32>
        %add3A_347 = arith.addf %get3A_342, %get3A_346 : vector<16xf32>
        %max3A_348 = arith.constant 0.000000e+00 : f32
        %max3A_349 = vector.broadcast %max3A_348 : f32 to vector<16xf32>
        %max3A_350 = arith.maximumf %add3A_347, %max3A_349 : vector<16xf32>
        %swap3A_351 = arith.index_cast %add3A_305 : i32 to index
        %swap3A_352 = arith.constant 32 : index
        %swap3A_353 = tpu.vector_load %arg17[%swap3A_351, %swap3A_352] {strides = array<i32>} : memref<40x128xf32, #tpu.memory_space<vmem>>, vector<1x16xf32>,
        %swap3A_354 = vector.shape_cast %swap3A_353 : vector<1x16xf32> to vector<16xf32>
        %swap3A_355 = vector.shape_cast %max3A_350 : vector<16xf32> to vector<1x16xf32>
        tpu.vector_store %arg17[%swap3A_351, %swap3A_352], %swap3A_355 {strides = array<i32>} : memref<40x128xf32, #tpu.memory_space<vmem>>, vector<1x16xf32>,
        %get3A_356 = arith.index_cast %add3A_305 : i32 to index
        %get3A_357 = arith.constant 48 : index
        %get3A_358 = tpu.vector_load %arg13[%get3A_356, %get3A_357] {strides = array<i32>} : memref<40x128xf32, #tpu.memory_space<vmem>>, vector<1x16xf32>,
        %get3A_359 = vector.shape_cast %get3A_358 : vector<1x16xf32> to vector<16xf32>
        %get3A_360 = arith.index_cast %add3A_305 : i32 to index
        %get3A_361 = arith.constant 48 : index
        %get3A_362 = tpu.vector_load %arg14[%get3A_360, %get3A_361] {strides = array<i32>} : memref<40x128xf32, #tpu.memory_space<vmem>>, vector<1x16xf32>,
        %get3A_363 = vector.shape_cast %get3A_362 : vector<1x16xf32> to vector<16xf32>
        %add3A_364 = arith.addf %get3A_359, %get3A_363 : vector<16xf32>
        %max3A_365 = arith.constant 0.000000e+00 : f32
        %max3A_366 = vector.broadcast %max3A_365 : f32 to vector<16xf32>
        %max3A_367 = arith.maximumf %add3A_364, %max3A_366 : vector<16xf32>
        %swap3A_368 = arith.index_cast %add3A_305 : i32 to index
        %swap3A_369 = arith.constant 48 : index
        %swap3A_370 = tpu.vector_load %arg17[%swap3A_368, %swap3A_369] {strides = array<i32>} : memref<40x128xf32, #tpu.memory_space<vmem>>, vector<1x16xf32>,
        %swap3A_371 = vector.shape_cast %swap3A_370 : vector<1x16xf32> to vector<16xf32>
        %swap3A_372 = vector.shape_cast %max3A_367 : vector<16xf32> to vector<1x16xf32>
        tpu.vector_store %arg17[%swap3A_368, %swap3A_369], %swap3A_372 {strides = array<i32>} : memref<40x128xf32, #tpu.memory_space<vmem>>, vector<1x16xf32>,
        %get3A_373 = arith.index_cast %add3A_305 : i32 to index
        %get3A_374 = arith.constant 64 : index
        %get3A_375 = tpu.vector_load %arg13[%get3A_373, %get3A_374] {strides = array<i32>} : memref<40x128xf32, #tpu.memory_space<vmem>>, vector<1x16xf32>,
        %get3A_376 = vector.shape_cast %get3A_375 : vector<1x16xf32> to vector<16xf32>
        %get3A_377 = arith.index_cast %add3A_305 : i32 to index
        %get3A_378 = arith.constant 64 : index
        %get3A_379 = tpu.vector_load %arg14[%get3A_377, %get3A_378] {strides = array<i32>} : memref<40x128xf32, #tpu.memory_space<vmem>>, vector<1x16xf32>,
        %get3A_380 = vector.shape_cast %get3A_379 : vector<1x16xf32> to vector<16xf32>
        %add3A_381 = arith.addf %get3A_376, %get3A_380 : vector<16xf32>
        %max3A_382 = arith.constant 0.000000e+00 : f32
        %max3A_383 = vector.broadcast %max3A_382 : f32 to vector<16xf32>
        %max3A_384 = arith.maximumf %add3A_381, %max3A_383 : vector<16xf32>
        %swap3A_385 = arith.index_cast %add3A_305 : i32 to index
        %swap3A_386 = arith.constant 64 : index
        %swap3A_387 = tpu.vector_load %arg17[%swap3A_385, %swap3A_386] {strides = array<i32>} : memref<40x128xf32, #tpu.memory_space<vmem>>, vector<1x16xf32>,
        %swap3A_388 = vector.shape_cast %swap3A_387 : vector<1x16xf32> to vector<16xf32>
        %swap3A_389 = vector.shape_cast %max3A_384 : vector<16xf32> to vector<1x16xf32>
        tpu.vector_store %arg17[%swap3A_385, %swap3A_386], %swap3A_389 {strides = array<i32>} : memref<40x128xf32, #tpu.memory_space<vmem>>, vector<1x16xf32>,
        %get3A_390 = arith.index_cast %add3A_305 : i32 to index
        %get3A_391 = arith.constant 80 : index
        %get3A_392 = tpu.vector_load %arg13[%get3A_390, %get3A_391] {strides = array<i32>} : memref<40x128xf32, #tpu.memory_space<vmem>>, vector<1x16xf32>,
        %get3A_393 = vector.shape_cast %get3A_392 : vector<1x16xf32> to vector<16xf32>
        %get3A_394 = arith.index_cast %add3A_305 : i32 to index
        %get3A_395 = arith.constant 80 : index
        %get3A_396 = tpu.vector_load %arg14[%get3A_394, %get3A_395] {strides = array<i32>} : memref<40x128xf32, #tpu.memory_space<vmem>>, vector<1x16xf32>,
        %get3A_397 = vector.shape_cast %get3A_396 : vector<1x16xf32> to vector<16xf32>
        %add3A_398 = arith.addf %get3A_393, %get3A_397 : vector<16xf32>
        %max3A_399 = arith.constant 0.000000e+00 : f32
        %max3A_400 = vector.broadcast %max3A_399 : f32 to vector<16xf32>
        %max3A_401 = arith.maximumf %add3A_398, %max3A_400 : vector<16xf32>
        %swap3A_402 = arith.index_cast %add3A_305 : i32 to index
        %swap3A_403 = arith.constant 80 : index
        %swap3A_404 = tpu.vector_load %arg17[%swap3A_402, %swap3A_403] {strides = array<i32>} : memref<40x128xf32, #tpu.memory_space<vmem>>, vector<1x16xf32>,
        %swap3A_405 = vector.shape_cast %swap3A_404 : vector<1x16xf32> to vector<16xf32>
        %swap3A_406 = vector.shape_cast %max3A_401 : vector<16xf32> to vector<1x16xf32>
        tpu.vector_store %arg17[%swap3A_402, %swap3A_403], %swap3A_406 {strides = array<i32>} : memref<40x128xf32, #tpu.memory_space<vmem>>, vector<1x16xf32>,
        %get3A_407 = arith.index_cast %add3A_305 : i32 to index
        %get3A_408 = arith.constant 96 : index
        %get3A_409 = tpu.vector_load %arg13[%get3A_407, %get3A_408] {strides = array<i32>} : memref<40x128xf32, #tpu.memory_space<vmem>>, vector<1x16xf32>,
        %get3A_410 = vector.shape_cast %get3A_409 : vector<1x16xf32> to vector<16xf32>
        %get3A_411 = arith.index_cast %add3A_305 : i32 to index
        %get3A_412 = arith.constant 96 : index
        %get3A_413 = tpu.vector_load %arg14[%get3A_411, %get3A_412] {strides = array<i32>} : memref<40x128xf32, #tpu.memory_space<vmem>>, vector<1x16xf32>,
        %get3A_414 = vector.shape_cast %get3A_413 : vector<1x16xf32> to vector<16xf32>
        %add3A_415 = arith.addf %get3A_410, %get3A_414 : vector<16xf32>
        %max3A_416 = arith.constant 0.000000e+00 : f32
        %max3A_417 = vector.broadcast %max3A_416 : f32 to vector<16xf32>
        %max3A_418 = arith.maximumf %add3A_415, %max3A_417 : vector<16xf32>
        %swap3A_419 = arith.index_cast %add3A_305 : i32 to index
        %swap3A_420 = arith.constant 96 : index
        %swap3A_421 = tpu.vector_load %arg17[%swap3A_419, %swap3A_420] {strides = array<i32>} : memref<40x128xf32, #tpu.memory_space<vmem>>, vector<1x16xf32>,
        %swap3A_422 = vector.shape_cast %swap3A_421 : vector<1x16xf32> to vector<16xf32>
        %swap3A_423 = vector.shape_cast %max3A_418 : vector<16xf32> to vector<1x16xf32>
        tpu.vector_store %arg17[%swap3A_419, %swap3A_420], %swap3A_423 {strides = array<i32>} : memref<40x128xf32, #tpu.memory_space<vmem>>, vector<1x16xf32>,
        %get3A_424 = arith.index_cast %add3A_305 : i32 to index
        %get3A_425 = arith.constant 112 : index
        %get3A_426 = tpu.vector_load %arg13[%get3A_424, %get3A_425] {strides = array<i32>} : memref<40x128xf32, #tpu.memory_space<vmem>>, vector<1x16xf32>,
        %get3A_427 = vector.shape_cast %get3A_426 : vector<1x16xf32> to vector<16xf32>
        %get3A_428 = arith.index_cast %add3A_305 : i32 to index
        %get3A_429 = arith.constant 112 : index
        %get3A_430 = tpu.vector_load %arg14[%get3A_428, %get3A_429] {strides = array<i32>} : memref<40x128xf32, #tpu.memory_space<vmem>>, vector<1x16xf32>,
        %get3A_431 = vector.shape_cast %get3A_430 : vector<1x16xf32> to vector<16xf32>
        %add3A_432 = arith.addf %get3A_427, %get3A_431 : vector<16xf32>
        %max3A_433 = arith.constant 0.000000e+00 : f32
        %max3A_434 = vector.broadcast %max3A_433 : f32 to vector<16xf32>
        %max3A_435 = arith.maximumf %add3A_432, %max3A_434 : vector<16xf32>
        %swap3A_436 = arith.index_cast %add3A_305 : i32 to index
        %swap3A_437 = arith.constant 112 : index
        %swap3A_438 = tpu.vector_load %arg17[%swap3A_436, %swap3A_437] {strides = array<i32>} : memref<40x128xf32, #tpu.memory_space<vmem>>, vector<1x16xf32>,
        %swap3A_439 = vector.shape_cast %swap3A_438 : vector<1x16xf32> to vector<16xf32>
        %swap3A_440 = vector.shape_cast %max3A_435 : vector<16xf32> to vector<1x16xf32>
        tpu.vector_store %arg17[%swap3A_436, %swap3A_437], %swap3A_440 {strides = array<i32>} : memref<40x128xf32, #tpu.memory_space<vmem>>, vector<1x16xf32>,
        %mul3A_441 = arith.constant 2 : i32
        %mul3A_442 = arith.muli %scan3A_301, %mul3A_441 : i32
        %add3A_443 = arith.constant 1 : i32
        %add3A_444 = arith.addi %mul3A_442, %add3A_443 : i32
        %get3A_445 = arith.index_cast %add3A_444 : i32 to index
        %get3A_446 = arith.constant 0 : index
        %get3A_447 = tpu.vector_load %arg13[%get3A_445, %get3A_446] {strides = array<i32>} : memref<40x128xf32, #tpu.memory_space<vmem>>, vector<1x16xf32>,
        %get3A_448 = vector.shape_cast %get3A_447 : vector<1x16xf32> to vector<16xf32>
        %get3A_449 = arith.index_cast %add3A_444 : i32 to index
        %get3A_450 = arith.constant 0 : index
        %get3A_451 = tpu.vector_load %arg14[%get3A_449, %get3A_450] {strides = array<i32>} : memref<40x128xf32, #tpu.memory_space<vmem>>, vector<1x16xf32>,
        %get3A_452 = vector.shape_cast %get3A_451 : vector<1x16xf32> to vector<16xf32>
        %add3A_453 = arith.addf %get3A_448, %get3A_452 : vector<16xf32>
        %max3A_454 = arith.constant 0.000000e+00 : f32
        %max3A_455 = vector.broadcast %max3A_454 : f32 to vector<16xf32>
        %max3A_456 = arith.maximumf %add3A_453, %max3A_455 : vector<16xf32>
        %swap3A_457 = arith.index_cast %add3A_444 : i32 to index
        %swap3A_458 = arith.constant 0 : index
        %swap3A_459 = tpu.vector_load %arg17[%swap3A_457, %swap3A_458] {strides = array<i32>} : memref<40x128xf32, #tpu.memory_space<vmem>>, vector<1x16xf32>,
        %swap3A_460 = vector.shape_cast %swap3A_459 : vector<1x16xf32> to vector<16xf32>
        %swap3A_461 = vector.shape_cast %max3A_456 : vector<16xf32> to vector<1x16xf32>
        tpu.vector_store %arg17[%swap3A_457, %swap3A_458], %swap3A_461 {strides = array<i32>} : memref<40x128xf32, #tpu.memory_space<vmem>>, vector<1x16xf32>,
        %get3A_462 = arith.index_cast %add3A_444 : i32 to index
        %get3A_463 = arith.constant 16 : index
        %get3A_464 = tpu.vector_load %arg13[%get3A_462, %get3A_463] {strides = array<i32>} : memref<40x128xf32, #tpu.memory_space<vmem>>, vector<1x16xf32>,
        %get3A_465 = vector.shape_cast %get3A_464 : vector<1x16xf32> to vector<16xf32>
        %get3A_466 = arith.index_cast %add3A_444 : i32 to index
        %get3A_467 = arith.constant 16 : index
        %get3A_468 = tpu.vector_load %arg14[%get3A_466, %get3A_467] {strides = array<i32>} : memref<40x128xf32, #tpu.memory_space<vmem>>, vector<1x16xf32>,
        %get3A_469 = vector.shape_cast %get3A_468 : vector<1x16xf32> to vector<16xf32>
        %add3A_470 = arith.addf %get3A_465, %get3A_469 : vector<16xf32>
        %max3A_471 = arith.constant 0.000000e+00 : f32
        %max3A_472 = vector.broadcast %max3A_471 : f32 to vector<16xf32>
        %max3A_473 = arith.maximumf %add3A_470, %max3A_472 : vector<16xf32>
        %swap3A_474 = arith.index_cast %add3A_444 : i32 to index
        %swap3A_475 = arith.constant 16 : index
        %swap3A_476 = tpu.vector_load %arg17[%swap3A_474, %swap3A_475] {strides = array<i32>} : memref<40x128xf32, #tpu.memory_space<vmem>>, vector<1x16xf32>,
        %swap3A_477 = vector.shape_cast %swap3A_476 : vector<1x16xf32> to vector<16xf32>
        %swap3A_478 = vector.shape_cast %max3A_473 : vector<16xf32> to vector<1x16xf32>
        tpu.vector_store %arg17[%swap3A_474, %swap3A_475], %swap3A_478 {strides = array<i32>} : memref<40x128xf32, #tpu.memory_space<vmem>>, vector<1x16xf32>,
        %get3A_479 = arith.index_cast %add3A_444 : i32 to index
        %get3A_480 = arith.constant 32 : index
        %get3A_481 = tpu.vector_load %arg13[%get3A_479, %get3A_480] {strides = array<i32>} : memref<40x128xf32, #tpu.memory_space<vmem>>, vector<1x16xf32>,
        %get3A_482 = vector.shape_cast %get3A_481 : vector<1x16xf32> to vector<16xf32>
        %get3A_483 = arith.index_cast %add3A_444 : i32 to index
        %get3A_484 = arith.constant 32 : index
        %get3A_485 = tpu.vector_load %arg14[%get3A_483, %get3A_484] {strides = array<i32>} : memref<40x128xf32, #tpu.memory_space<vmem>>, vector<1x16xf32>,
        %get3A_486 = vector.shape_cast %get3A_485 : vector<1x16xf32> to vector<16xf32>
        %add3A_487 = arith.addf %get3A_482, %get3A_486 : vector<16xf32>
        %max3A_488 = arith.constant 0.000000e+00 : f32
        %max3A_489 = vector.broadcast %max3A_488 : f32 to vector<16xf32>
        %max3A_490 = arith.maximumf %add3A_487, %max3A_489 : vector<16xf32>
        %swap3A_491 = arith.index_cast %add3A_444 : i32 to index
        %swap3A_492 = arith.constant 32 : index
        %swap3A_493 = tpu.vector_load %arg17[%swap3A_491, %swap3A_492] {strides = array<i32>} : memref<40x128xf32, #tpu.memory_space<vmem>>, vector<1x16xf32>,
        %swap3A_494 = vector.shape_cast %swap3A_493 : vector<1x16xf32> to vector<16xf32>
        %swap3A_495 = vector.shape_cast %max3A_490 : vector<16xf32> to vector<1x16xf32>
        tpu.vector_store %arg17[%swap3A_491, %swap3A_492], %swap3A_495 {strides = array<i32>} : memref<40x128xf32, #tpu.memory_space<vmem>>, vector<1x16xf32>,
        %get3A_496 = arith.index_cast %add3A_444 : i32 to index
        %get3A_497 = arith.constant 48 : index
        %get3A_498 = tpu.vector_load %arg13[%get3A_496, %get3A_497] {strides = array<i32>} : memref<40x128xf32, #tpu.memory_space<vmem>>, vector<1x16xf32>,
        %get3A_499 = vector.shape_cast %get3A_498 : vector<1x16xf32> to vector<16xf32>
        %get3A_500 = arith.index_cast %add3A_444 : i32 to index
        %get3A_501 = arith.constant 48 : index
        %get3A_502 = tpu.vector_load %arg14[%get3A_500, %get3A_501] {strides = array<i32>} : memref<40x128xf32, #tpu.memory_space<vmem>>, vector<1x16xf32>,
        %get3A_503 = vector.shape_cast %get3A_502 : vector<1x16xf32> to vector<16xf32>
        %add3A_504 = arith.addf %get3A_499, %get3A_503 : vector<16xf32>
        %max3A_505 = arith.constant 0.000000e+00 : f32
        %max3A_506 = vector.broadcast %max3A_505 : f32 to vector<16xf32>
        %max3A_507 = arith.maximumf %add3A_504, %max3A_506 : vector<16xf32>
        %swap3A_508 = arith.index_cast %add3A_444 : i32 to index
        %swap3A_509 = arith.constant 48 : index
        %swap3A_510 = tpu.vector_load %arg17[%swap3A_508, %swap3A_509] {strides = array<i32>} : memref<40x128xf32, #tpu.memory_space<vmem>>, vector<1x16xf32>,
        %swap3A_511 = vector.shape_cast %swap3A_510 : vector<1x16xf32> to vector<16xf32>
        %swap3A_512 = vector.shape_cast %max3A_507 : vector<16xf32> to vector<1x16xf32>
        tpu.vector_store %arg17[%swap3A_508, %swap3A_509], %swap3A_512 {strides = array<i32>} : memref<40x128xf32, #tpu.memory_space<vmem>>, vector<1x16xf32>,
        %get3A_513 = arith.index_cast %add3A_444 : i32 to index
        %get3A_514 = arith.constant 64 : index
        %get3A_515 = tpu.vector_load %arg13[%get3A_513, %get3A_514] {strides = array<i32>} : memref<40x128xf32, #tpu.memory_space<vmem>>, vector<1x16xf32>,
        %get3A_516 = vector.shape_cast %get3A_515 : vector<1x16xf32> to vector<16xf32>
        %get3A_517 = arith.index_cast %add3A_444 : i32 to index
        %get3A_518 = arith.constant 64 : index
        %get3A_519 = tpu.vector_load %arg14[%get3A_517, %get3A_518] {strides = array<i32>} : memref<40x128xf32, #tpu.memory_space<vmem>>, vector<1x16xf32>,
        %get3A_520 = vector.shape_cast %get3A_519 : vector<1x16xf32> to vector<16xf32>
        %add3A_521 = arith.addf %get3A_516, %get3A_520 : vector<16xf32>
        %max3A_522 = arith.constant 0.000000e+00 : f32
        %max3A_523 = vector.broadcast %max3A_522 : f32 to vector<16xf32>
        %max3A_524 = arith.maximumf %add3A_521, %max3A_523 : vector<16xf32>
        %swap3A_525 = arith.index_cast %add3A_444 : i32 to index
        %swap3A_526 = arith.constant 64 : index
        %swap3A_527 = tpu.vector_load %arg17[%swap3A_525, %swap3A_526] {strides = array<i32>} : memref<40x128xf32, #tpu.memory_space<vmem>>, vector<1x16xf32>,
        %swap3A_528 = vector.shape_cast %swap3A_527 : vector<1x16xf32> to vector<16xf32>
        %swap3A_529 = vector.shape_cast %max3A_524 : vector<16xf32> to vector<1x16xf32>
        tpu.vector_store %arg17[%swap3A_525, %swap3A_526], %swap3A_529 {strides = array<i32>} : memref<40x128xf32, #tpu.memory_space<vmem>>, vector<1x16xf32>,
        %get3A_530 = arith.index_cast %add3A_444 : i32 to index
        %get3A_531 = arith.constant 80 : index
        %get3A_532 = tpu.vector_load %arg13[%get3A_530, %get3A_531] {strides = array<i32>} : memref<40x128xf32, #tpu.memory_space<vmem>>, vector<1x16xf32>,
        %get3A_533 = vector.shape_cast %get3A_532 : vector<1x16xf32> to vector<16xf32>
        %get3A_534 = arith.index_cast %add3A_444 : i32 to index
        %get3A_535 = arith.constant 80 : index
        %get3A_536 = tpu.vector_load %arg14[%get3A_534, %get3A_535] {strides = array<i32>} : memref<40x128xf32, #tpu.memory_space<vmem>>, vector<1x16xf32>,
        %get3A_537 = vector.shape_cast %get3A_536 : vector<1x16xf32> to vector<16xf32>
        %add3A_538 = arith.addf %get3A_533, %get3A_537 : vector<16xf32>
        %max3A_539 = arith.constant 0.000000e+00 : f32
        %max3A_540 = vector.broadcast %max3A_539 : f32 to vector<16xf32>
        %max3A_541 = arith.maximumf %add3A_538, %max3A_540 : vector<16xf32>
        %swap3A_542 = arith.index_cast %add3A_444 : i32 to index
        %swap3A_543 = arith.constant 80 : index
        %swap3A_544 = tpu.vector_load %arg17[%swap3A_542, %swap3A_543] {strides = array<i32>} : memref<40x128xf32, #tpu.memory_space<vmem>>, vector<1x16xf32>,
        %swap3A_545 = vector.shape_cast %swap3A_544 : vector<1x16xf32> to vector<16xf32>
        %swap3A_546 = vector.shape_cast %max3A_541 : vector<16xf32> to vector<1x16xf32>
        tpu.vector_store %arg17[%swap3A_542, %swap3A_543], %swap3A_546 {strides = array<i32>} : memref<40x128xf32, #tpu.memory_space<vmem>>, vector<1x16xf32>,
        %get3A_547 = arith.index_cast %add3A_444 : i32 to index
        %get3A_548 = arith.constant 96 : index
        %get3A_549 = tpu.vector_load %arg13[%get3A_547, %get3A_548] {strides = array<i32>} : memref<40x128xf32, #tpu.memory_space<vmem>>, vector<1x16xf32>,
        %get3A_550 = vector.shape_cast %get3A_549 : vector<1x16xf32> to vector<16xf32>
        %get3A_551 = arith.index_cast %add3A_444 : i32 to index
        %get3A_552 = arith.constant 96 : index
        %get3A_553 = tpu.vector_load %arg14[%get3A_551, %get3A_552] {strides = array<i32>} : memref<40x128xf32, #tpu.memory_space<vmem>>, vector<1x16xf32>,
        %get3A_554 = vector.shape_cast %get3A_553 : vector<1x16xf32> to vector<16xf32>
        %add3A_555 = arith.addf %get3A_550, %get3A_554 : vector<16xf32>
        %max3A_556 = arith.constant 0.000000e+00 : f32
        %max3A_557 = vector.broadcast %max3A_556 : f32 to vector<16xf32>
        %max3A_558 = arith.maximumf %add3A_555, %max3A_557 : vector<16xf32>
        %swap3A_559 = arith.index_cast %add3A_444 : i32 to index
        %swap3A_560 = arith.constant 96 : index
        %swap3A_561 = tpu.vector_load %arg17[%swap3A_559, %swap3A_560] {strides = array<i32>} : memref<40x128xf32, #tpu.memory_space<vmem>>, vector<1x16xf32>,
        %swap3A_562 = vector.shape_cast %swap3A_561 : vector<1x16xf32> to vector<16xf32>
        %swap3A_563 = vector.shape_cast %max3A_558 : vector<16xf32> to vector<1x16xf32>
        tpu.vector_store %arg17[%swap3A_559, %swap3A_560], %swap3A_563 {strides = array<i32>} : memref<40x128xf32, #tpu.memory_space<vmem>>, vector<1x16xf32>,
        %get3A_564 = arith.index_cast %add3A_444 : i32 to index
        %get3A_565 = arith.constant 112 : index
        %get3A_566 = tpu.vector_load %arg13[%get3A_564, %get3A_565] {strides = array<i32>} : memref<40x128xf32, #tpu.memory_space<vmem>>, vector<1x16xf32>,
        %get3A_567 = vector.shape_cast %get3A_566 : vector<1x16xf32> to vector<16xf32>
        %get3A_568 = arith.index_cast %add3A_444 : i32 to index
        %get3A_569 = arith.constant 112 : index
        %get3A_570 = tpu.vector_load %arg14[%get3A_568, %get3A_569] {strides = array<i32>} : memref<40x128xf32, #tpu.memory_space<vmem>>, vector<1x16xf32>,
        %get3A_571 = vector.shape_cast %get3A_570 : vector<1x16xf32> to vector<16xf32>
        %add3A_572 = arith.addf %get3A_567, %get3A_571 : vector<16xf32>
        %max3A_573 = arith.constant 0.000000e+00 : f32
        %max3A_574 = vector.broadcast %max3A_573 : f32 to vector<16xf32>
        %max3A_575 = arith.maximumf %add3A_572, %max3A_574 : vector<16xf32>
        %swap3A_576 = arith.index_cast %add3A_444 : i32 to index
        %swap3A_577 = arith.constant 112 : index
        %swap3A_578 = tpu.vector_load %arg17[%swap3A_576, %swap3A_577] {strides = array<i32>} : memref<40x128xf32, #tpu.memory_space<vmem>>, vector<1x16xf32>,
        %swap3A_579 = vector.shape_cast %swap3A_578 : vector<1x16xf32> to vector<16xf32>
        %swap3A_580 = vector.shape_cast %max3A_575 : vector<16xf32> to vector<1x16xf32>
        tpu.vector_store %arg17[%swap3A_576, %swap3A_577], %swap3A_580 {strides = array<i32>} : memref<40x128xf32, #tpu.memory_space<vmem>>, vector<1x16xf32>,
      }
      %scan3A_218 = arith.constant 20 : i32
      %dma_start3A_219 = arith.constant 0 : i32
      %dma_start3A_220 = arith.constant 0 : i32
      %dma_start3A_221 = tpu.memref_slice %arg19[%dma_start3A_219, %dma_start3A_220] : memref<10112x128xf32, #tpu.memory_space<vmem_shared>> -> memref<10112x128xf32, #tpu.memory_space<vmem_shared>>
      tpu.enqueue_indirect_dma source(%arg17 : memref<40x128xf32, #tpu.memory_space<vmem>>) target(%dma_start3A_221 : memref<10112x128xf32, #tpu.memory_space<vmem_shared>>) offsets(%arg11 : memref<40xi32, #tpu.memory_space<vmem>>) semaphore(%arg24 : memref<!tpu.dma_semaphore, #tpu.memory_space<semaphore_mem>>) {add = true}
      %add3A_222 = arith.constant 2 : i32
      %add3A_223 = arith.addi %mul3A_162, %add3A_222 : i32
      %lt3A = arith.constant 250 : i32
      %lt3A_224 = arith.cmpi slt, %add3A_223, %lt3A : i32
      %convert_element_type3A_225 = arith.extui %lt3A_224 : i1 to i32
      %cond3A_226 = arith.constant 0 : i32
      %cond3A_227 = arith.cmpi ne, %convert_element_type3A_225, %cond3A_226 : i32
      scf.if %cond3A_227 {
        %add3A_301 = arith.constant 2 : i32
        %add3A_302 = arith.addi %mul3A_162, %add3A_301 : i32
        %mul3A_303 = arith.constant 40 : i32
        %mul3A_304 = arith.muli %add3A_302, %mul3A_303 : i32
        %add3A_305 = arith.constant 0 : i32
        %add3A_306 = arith.addi %mul3A_304, %add3A_305 : i32
        %get3A_307 = arith.index_cast %add3A_306 : i32 to index
        %get3A_308 = tpu.vector_load %arg6[%get3A_307] {strides = array<i32>} : memref<10000xi32, #tpu.memory_space<vmem>>, vector<16xi32>,
        %get3A_309 = vector.shape_cast %get3A_308 : vector<16xi32> to vector<16xi32>
        %and3A_310 = arith.andi %get3A_309, %broadcast_in_dim3A_48 : vector<16xi32>
        %swap3A_311 = arith.constant 0 : index
        %swap3A_312 = tpu.vector_load %arg7[%swap3A_311] {strides = array<i32>} : memref<40xi32, #tpu.memory_space<vmem>>, vector<16xi32>,
        %swap3A_313 = vector.shape_cast %swap3A_312 : vector<16xi32> to vector<16xi32>
        %swap3A_314 = vector.shape_cast %and3A_310 : vector<16xi32> to vector<16xi32>
        tpu.vector_store %arg7[%swap3A_311], %swap3A_314 {strides = array<i32>} : memref<40xi32, #tpu.memory_space<vmem>>, vector<16xi32>,
        %shift_right_logical3A_315 = arith.constant 14 : i32
        %shift_right_logical3A_316 = vector.broadcast %shift_right_logical3A_315 : i32 to vector<16xi32>
        %shift_right_logical3A_317 = arith.shrui %get3A_309, %shift_right_logical3A_316 : vector<16xi32>
        %swap3A_318 = arith.constant 0 : index
        %swap3A_319 = tpu.vector_load %arg9[%swap3A_318] {strides = array<i32>} : memref<40xi32, #tpu.memory_space<vmem>>, vector<16xi32>,
        %swap3A_320 = vector.shape_cast %swap3A_319 : vector<16xi32> to vector<16xi32>
        %swap3A_321 = vector.shape_cast %shift_right_logical3A_317 : vector<16xi32> to vector<16xi32>
        tpu.vector_store %arg9[%swap3A_318], %swap3A_321 {strides = array<i32>} : memref<40xi32, #tpu.memory_space<vmem>>, vector<16xi32>,
        %mul3A_322 = arith.constant 40 : i32
        %mul3A_323 = arith.muli %add3A_302, %mul3A_322 : i32
        %add3A_324 = arith.constant 16 : i32
        %add3A_325 = arith.addi %mul3A_323, %add3A_324 : i32
        %get3A_326 = arith.index_cast %add3A_325 : i32 to index
        %get3A_327 = tpu.vector_load %arg6[%get3A_326] {strides = array<i32>} : memref<10000xi32, #tpu.memory_space<vmem>>, vector<16xi32>,
        %get3A_328 = vector.shape_cast %get3A_327 : vector<16xi32> to vector<16xi32>
        %and3A_329 = arith.andi %get3A_328, %broadcast_in_dim3A_48 : vector<16xi32>
        %swap3A_330 = arith.constant 16 : index
        %swap3A_331 = tpu.vector_load %arg7[%swap3A_330] {strides = array<i32>} : memref<40xi32, #tpu.memory_space<vmem>>, vector<16xi32>,
        %swap3A_332 = vector.shape_cast %swap3A_331 : vector<16xi32> to vector<16xi32>
        %swap3A_333 = vector.shape_cast %and3A_329 : vector<16xi32> to vector<16xi32>
        tpu.vector_store %arg7[%swap3A_330], %swap3A_333 {strides = array<i32>} : memref<40xi32, #tpu.memory_space<vmem>>, vector<16xi32>,
        %shift_right_logical3A_334 = arith.constant 14 : i32
        %shift_right_logical3A_335 = vector.broadcast %shift_right_logical3A_334 : i32 to vector<16xi32>
        %shift_right_logical3A_336 = arith.shrui %get3A_328, %shift_right_logical3A_335 : vector<16xi32>
        %swap3A_337 = arith.constant 16 : index
        %swap3A_338 = tpu.vector_load %arg9[%swap3A_337] {strides = array<i32>} : memref<40xi32, #tpu.memory_space<vmem>>, vector<16xi32>,
        %swap3A_339 = vector.shape_cast %swap3A_338 : vector<16xi32> to vector<16xi32>
        %swap3A_340 = vector.shape_cast %shift_right_logical3A_336 : vector<16xi32> to vector<16xi32>
        tpu.vector_store %arg9[%swap3A_337], %swap3A_340 {strides = array<i32>} : memref<40xi32, #tpu.memory_space<vmem>>, vector<16xi32>,
        %mul3A_341 = arith.constant 40 : i32
        %mul3A_342 = arith.muli %add3A_302, %mul3A_341 : i32
        %add3A_343 = arith.constant 24 : i32
        %add3A_344 = arith.addi %mul3A_342, %add3A_343 : i32
        %get3A_345 = arith.index_cast %add3A_344 : i32 to index
        %get3A_346 = tpu.vector_load %arg6[%get3A_345] {strides = array<i32>} : memref<10000xi32, #tpu.memory_space<vmem>>, vector<16xi32>,
        %get3A_347 = vector.shape_cast %get3A_346 : vector<16xi32> to vector<16xi32>
        %and3A_348 = arith.andi %get3A_347, %broadcast_in_dim3A_48 : vector<16xi32>
        %swap3A_349 = arith.constant 24 : index
        %swap3A_350 = tpu.vector_load %arg7[%swap3A_349] {strides = array<i32>} : memref<40xi32, #tpu.memory_space<vmem>>, vector<16xi32>,
        %swap3A_351 = vector.shape_cast %swap3A_350 : vector<16xi32> to vector<16xi32>
        %swap3A_352 = vector.shape_cast %and3A_348 : vector<16xi32> to vector<16xi32>
        tpu.vector_store %arg7[%swap3A_349], %swap3A_352 {strides = array<i32>} : memref<40xi32, #tpu.memory_space<vmem>>, vector<16xi32>,
        %shift_right_logical3A_353 = arith.constant 14 : i32
        %shift_right_logical3A_354 = vector.broadcast %shift_right_logical3A_353 : i32 to vector<16xi32>
        %shift_right_logical3A_355 = arith.shrui %get3A_347, %shift_right_logical3A_354 : vector<16xi32>
        %swap3A_356 = arith.constant 24 : index
        %swap3A_357 = tpu.vector_load %arg9[%swap3A_356] {strides = array<i32>} : memref<40xi32, #tpu.memory_space<vmem>>, vector<16xi32>,
        %swap3A_358 = vector.shape_cast %swap3A_357 : vector<16xi32> to vector<16xi32>
        %swap3A_359 = vector.shape_cast %shift_right_logical3A_355 : vector<16xi32> to vector<16xi32>
        tpu.vector_store %arg9[%swap3A_356], %swap3A_359 {strides = array<i32>} : memref<40xi32, #tpu.memory_space<vmem>>, vector<16xi32>,
        %dma_start3A_360 = arith.constant 0 : i32
        %dma_start3A_361 = arith.constant 0 : i32
        %dma_start3A_362 = tpu.memref_slice %arg2[%dma_start3A_360, %dma_start3A_361] : memref<10000x128xf32, #tpu.memory_space<hbm>> -> memref<10000x128xf32, #tpu.memory_space<hbm>>
        tpu.enqueue_indirect_dma source(%dma_start3A_362 : memref<10000x128xf32, #tpu.memory_space<hbm>>) target(%arg13 : memref<40x128xf32, #tpu.memory_space<vmem>>) offsets(%arg7 : memref<40xi32, #tpu.memory_space<vmem>>) semaphore(%arg20 : memref<!tpu.dma_semaphore, #tpu.memory_space<semaphore_mem>>)
        %dma_start3A_363 = arith.constant 0 : i32
        %dma_start3A_364 = arith.constant 0 : i32
        %dma_start3A_365 = tpu.memref_slice %arg3[%dma_start3A_363, %dma_start3A_364] : memref<10000x128xf32, #tpu.memory_space<hbm>> -> memref<10000x128xf32, #tpu.memory_space<hbm>>
        tpu.enqueue_indirect_dma source(%dma_start3A_365 : memref<10000x128xf32, #tpu.memory_space<hbm>>) target(%arg14 : memref<40x128xf32, #tpu.memory_space<vmem>>) offsets(%arg9 : memref<40xi32, #tpu.memory_space<vmem>>) semaphore(%arg21 : memref<!tpu.dma_semaphore, #tpu.memory_space<semaphore_mem>>)
      } else {
      }
      %mul3A_228 = arith.constant 2 : i32
      %mul3A_229 = arith.muli %mul3A_228, %scan3A_160 : i32
      %add3A_230 = arith.constant 1 : i32
      %add3A_231 = arith.addi %mul3A_229, %add3A_230 : i32
      %dma_wait3A_232 = arith.constant 0 : i32
      %dma_wait3A_233 = arith.constant 0 : i32
      %dma_wait3A_234 = tpu.memref_slice %arg2[%dma_wait3A_232, %dma_wait3A_233] : memref<10000x128xf32, #tpu.memory_space<hbm>> -> memref<10000x128xf32, #tpu.memory_space<hbm>>
      tpu.wait_indirect_dma semaphore(%arg22 : memref<!tpu.dma_semaphore, #tpu.memory_space<semaphore_mem>>) src(%dma_wait3A_234 : memref<10000x128xf32, #tpu.memory_space<hbm>>) dst(%arg15 : memref<40x128xf32, #tpu.memory_space<vmem>>)
      %dma_wait3A_235 = arith.constant 0 : i32
      %dma_wait3A_236 = arith.constant 0 : i32
      %dma_wait3A_237 = tpu.memref_slice %arg3[%dma_wait3A_235, %dma_wait3A_236] : memref<10000x128xf32, #tpu.memory_space<hbm>> -> memref<10000x128xf32, #tpu.memory_space<hbm>>
      tpu.wait_indirect_dma semaphore(%arg23 : memref<!tpu.dma_semaphore, #tpu.memory_space<semaphore_mem>>) src(%dma_wait3A_237 : memref<10000x128xf32, #tpu.memory_space<hbm>>) dst(%arg16 : memref<40x128xf32, #tpu.memory_space<vmem>>)
      %ge3A_238 = arith.constant 2 : i32
      %ge3A_239 = arith.cmpi sge, %add3A_231, %ge3A_238 : i32
      %convert_element_type3A_240 = arith.extui %ge3A_239 : i1 to i32
      %cond3A_241 = arith.constant 0 : i32
      %cond3A_242 = arith.cmpi ne, %convert_element_type3A_240, %cond3A_241 : i32
      scf.if %cond3A_242 {
        %dma_wait3A_301 = arith.constant 0 : i32
        %dma_wait3A_302 = arith.constant 0 : i32
        %dma_wait3A_303 = tpu.memref_slice %arg19[%dma_wait3A_301, %dma_wait3A_302] : memref<10112x128xf32, #tpu.memory_space<vmem_shared>> -> memref<10112x128xf32, #tpu.memory_space<vmem_shared>>
        tpu.wait_indirect_dma semaphore(%arg25 : memref<!tpu.dma_semaphore, #tpu.memory_space<semaphore_mem>>) src(%arg18 : memref<40x128xf32, #tpu.memory_space<vmem>>) dst(%dma_wait3A_303 : memref<10112x128xf32, #tpu.memory_space<vmem_shared>>)
      } else {
      }
      %mul3A_243 = arith.constant 40 : i32
      %mul3A_244 = arith.muli %add3A_231, %mul3A_243 : i32
      %add3A_245 = arith.constant 0 : i32
      %add3A_246 = arith.addi %mul3A_244, %add3A_245 : i32
      %get3A_247 = arith.index_cast %add3A_246 : i32 to index
      %get3A_248 = tpu.vector_load %arg6[%get3A_247] {strides = array<i32>} : memref<10000xi32, #tpu.memory_space<vmem>>, vector<16xi32>,
      %get3A_249 = vector.shape_cast %get3A_248 : vector<16xi32> to vector<16xi32>
      %shift_right_logical3A_250 = arith.constant 14 : i32
      %shift_right_logical3A_251 = vector.broadcast %shift_right_logical3A_250 : i32 to vector<16xi32>
      %shift_right_logical3A_252 = arith.shrui %get3A_249, %shift_right_logical3A_251 : vector<16xi32>
      %swap3A_253 = arith.constant 0 : index
      %swap3A_254 = tpu.vector_load %arg12[%swap3A_253] {strides = array<i32>} : memref<40xi32, #tpu.memory_space<vmem>>, vector<16xi32>,
      %swap3A_255 = vector.shape_cast %swap3A_254 : vector<16xi32> to vector<16xi32>
      %swap3A_256 = vector.shape_cast %shift_right_logical3A_252 : vector<16xi32> to vector<16xi32>
      tpu.vector_store %arg12[%swap3A_253], %swap3A_256 {strides = array<i32>} : memref<40xi32, #tpu.memory_space<vmem>>, vector<16xi32>,
      %mul3A_257 = arith.constant 40 : i32
      %mul3A_258 = arith.muli %add3A_231, %mul3A_257 : i32
      %add3A_259 = arith.constant 16 : i32
      %add3A_260 = arith.addi %mul3A_258, %add3A_259 : i32
      %get3A_261 = arith.index_cast %add3A_260 : i32 to index
      %get3A_262 = tpu.vector_load %arg6[%get3A_261] {strides = array<i32>} : memref<10000xi32, #tpu.memory_space<vmem>>, vector<16xi32>,
      %get3A_263 = vector.shape_cast %get3A_262 : vector<16xi32> to vector<16xi32>
      %shift_right_logical3A_264 = arith.constant 14 : i32
      %shift_right_logical3A_265 = vector.broadcast %shift_right_logical3A_264 : i32 to vector<16xi32>
      %shift_right_logical3A_266 = arith.shrui %get3A_263, %shift_right_logical3A_265 : vector<16xi32>
      %swap3A_267 = arith.constant 16 : index
      %swap3A_268 = tpu.vector_load %arg12[%swap3A_267] {strides = array<i32>} : memref<40xi32, #tpu.memory_space<vmem>>, vector<16xi32>,
      %swap3A_269 = vector.shape_cast %swap3A_268 : vector<16xi32> to vector<16xi32>
      %swap3A_270 = vector.shape_cast %shift_right_logical3A_266 : vector<16xi32> to vector<16xi32>
      tpu.vector_store %arg12[%swap3A_267], %swap3A_270 {strides = array<i32>} : memref<40xi32, #tpu.memory_space<vmem>>, vector<16xi32>,
      %mul3A_271 = arith.constant 40 : i32
      %mul3A_272 = arith.muli %add3A_231, %mul3A_271 : i32
      %add3A_273 = arith.constant 24 : i32
      %add3A_274 = arith.addi %mul3A_272, %add3A_273 : i32
      %get3A_275 = arith.index_cast %add3A_274 : i32 to index
      %get3A_276 = tpu.vector_load %arg6[%get3A_275] {strides = array<i32>} : memref<10000xi32, #tpu.memory_space<vmem>>, vector<16xi32>,
      %get3A_277 = vector.shape_cast %get3A_276 : vector<16xi32> to vector<16xi32>
      %shift_right_logical3A_278 = arith.constant 14 : i32
      %shift_right_logical3A_279 = vector.broadcast %shift_right_logical3A_278 : i32 to vector<16xi32>
      %shift_right_logical3A_280 = arith.shrui %get3A_277, %shift_right_logical3A_279 : vector<16xi32>
      %swap3A_281 = arith.constant 24 : index
      %swap3A_282 = tpu.vector_load %arg12[%swap3A_281] {strides = array<i32>} : memref<40xi32, #tpu.memory_space<vmem>>, vector<16xi32>,
      %swap3A_283 = vector.shape_cast %swap3A_282 : vector<16xi32> to vector<16xi32>
      %swap3A_284 = vector.shape_cast %shift_right_logical3A_280 : vector<16xi32> to vector<16xi32>
      tpu.vector_store %arg12[%swap3A_281], %swap3A_284 {strides = array<i32>} : memref<40xi32, #tpu.memory_space<vmem>>, vector<16xi32>,
      %scan3A_285 = arith.constant 0 : i32
      %scan3A_286 = arith.constant 0 : i32
      %scan3A_287 = arith.constant 20 : i32
      %scan3A_288 = arith.addi %scan3A_286, %scan3A_287 : i32
      %scan3A_289 = arith.constant 1 : i32
      scf.for %scan3A_301 = %scan3A_286 to %scan3A_288 step %scan3A_289  : i32 {
        %mul3A_302 = arith.constant 2 : i32
        %mul3A_303 = arith.muli %scan3A_301, %mul3A_302 : i32
        %add3A_304 = arith.constant 0 : i32
        %add3A_305 = arith.addi %mul3A_303, %add3A_304 : i32
        %get3A_306 = arith.index_cast %add3A_305 : i32 to index
        %get3A_307 = arith.constant 0 : index
        %get3A_308 = tpu.vector_load %arg15[%get3A_306, %get3A_307] {strides = array<i32>} : memref<40x128xf32, #tpu.memory_space<vmem>>, vector<1x16xf32>,
        %get3A_309 = vector.shape_cast %get3A_308 : vector<1x16xf32> to vector<16xf32>
        %get3A_310 = arith.index_cast %add3A_305 : i32 to index
        %get3A_311 = arith.constant 0 : index
        %get3A_312 = tpu.vector_load %arg16[%get3A_310, %get3A_311] {strides = array<i32>} : memref<40x128xf32, #tpu.memory_space<vmem>>, vector<1x16xf32>,
        %get3A_313 = vector.shape_cast %get3A_312 : vector<1x16xf32> to vector<16xf32>
        %add3A_314 = arith.addf %get3A_309, %get3A_313 : vector<16xf32>
        %max3A = arith.constant 0.000000e+00 : f32
        %max3A_315 = vector.broadcast %max3A : f32 to vector<16xf32>
        %max3A_316 = arith.maximumf %add3A_314, %max3A_315 : vector<16xf32>
        %swap3A_317 = arith.index_cast %add3A_305 : i32 to index
        %swap3A_318 = arith.constant 0 : index
        %swap3A_319 = tpu.vector_load %arg18[%swap3A_317, %swap3A_318] {strides = array<i32>} : memref<40x128xf32, #tpu.memory_space<vmem>>, vector<1x16xf32>,
        %swap3A_320 = vector.shape_cast %swap3A_319 : vector<1x16xf32> to vector<16xf32>
        %swap3A_321 = vector.shape_cast %max3A_316 : vector<16xf32> to vector<1x16xf32>
        tpu.vector_store %arg18[%swap3A_317, %swap3A_318], %swap3A_321 {strides = array<i32>} : memref<40x128xf32, #tpu.memory_space<vmem>>, vector<1x16xf32>,
        %get3A_322 = arith.index_cast %add3A_305 : i32 to index
        %get3A_323 = arith.constant 16 : index
        %get3A_324 = tpu.vector_load %arg15[%get3A_322, %get3A_323] {strides = array<i32>} : memref<40x128xf32, #tpu.memory_space<vmem>>, vector<1x16xf32>,
        %get3A_325 = vector.shape_cast %get3A_324 : vector<1x16xf32> to vector<16xf32>
        %get3A_326 = arith.index_cast %add3A_305 : i32 to index
        %get3A_327 = arith.constant 16 : index
        %get3A_328 = tpu.vector_load %arg16[%get3A_326, %get3A_327] {strides = array<i32>} : memref<40x128xf32, #tpu.memory_space<vmem>>, vector<1x16xf32>,
        %get3A_329 = vector.shape_cast %get3A_328 : vector<1x16xf32> to vector<16xf32>
        %add3A_330 = arith.addf %get3A_325, %get3A_329 : vector<16xf32>
        %max3A_331 = arith.constant 0.000000e+00 : f32
        %max3A_332 = vector.broadcast %max3A_331 : f32 to vector<16xf32>
        %max3A_333 = arith.maximumf %add3A_330, %max3A_332 : vector<16xf32>
        %swap3A_334 = arith.index_cast %add3A_305 : i32 to index
        %swap3A_335 = arith.constant 16 : index
        %swap3A_336 = tpu.vector_load %arg18[%swap3A_334, %swap3A_335] {strides = array<i32>} : memref<40x128xf32, #tpu.memory_space<vmem>>, vector<1x16xf32>,
        %swap3A_337 = vector.shape_cast %swap3A_336 : vector<1x16xf32> to vector<16xf32>
        %swap3A_338 = vector.shape_cast %max3A_333 : vector<16xf32> to vector<1x16xf32>
        tpu.vector_store %arg18[%swap3A_334, %swap3A_335], %swap3A_338 {strides = array<i32>} : memref<40x128xf32, #tpu.memory_space<vmem>>, vector<1x16xf32>,
        %get3A_339 = arith.index_cast %add3A_305 : i32 to index
        %get3A_340 = arith.constant 32 : index
        %get3A_341 = tpu.vector_load %arg15[%get3A_339, %get3A_340] {strides = array<i32>} : memref<40x128xf32, #tpu.memory_space<vmem>>, vector<1x16xf32>,
        %get3A_342 = vector.shape_cast %get3A_341 : vector<1x16xf32> to vector<16xf32>
        %get3A_343 = arith.index_cast %add3A_305 : i32 to index
        %get3A_344 = arith.constant 32 : index
        %get3A_345 = tpu.vector_load %arg16[%get3A_343, %get3A_344] {strides = array<i32>} : memref<40x128xf32, #tpu.memory_space<vmem>>, vector<1x16xf32>,
        %get3A_346 = vector.shape_cast %get3A_345 : vector<1x16xf32> to vector<16xf32>
        %add3A_347 = arith.addf %get3A_342, %get3A_346 : vector<16xf32>
        %max3A_348 = arith.constant 0.000000e+00 : f32
        %max3A_349 = vector.broadcast %max3A_348 : f32 to vector<16xf32>
        %max3A_350 = arith.maximumf %add3A_347, %max3A_349 : vector<16xf32>
        %swap3A_351 = arith.index_cast %add3A_305 : i32 to index
        %swap3A_352 = arith.constant 32 : index
        %swap3A_353 = tpu.vector_load %arg18[%swap3A_351, %swap3A_352] {strides = array<i32>} : memref<40x128xf32, #tpu.memory_space<vmem>>, vector<1x16xf32>,
        %swap3A_354 = vector.shape_cast %swap3A_353 : vector<1x16xf32> to vector<16xf32>
        %swap3A_355 = vector.shape_cast %max3A_350 : vector<16xf32> to vector<1x16xf32>
        tpu.vector_store %arg18[%swap3A_351, %swap3A_352], %swap3A_355 {strides = array<i32>} : memref<40x128xf32, #tpu.memory_space<vmem>>, vector<1x16xf32>,
        %get3A_356 = arith.index_cast %add3A_305 : i32 to index
        %get3A_357 = arith.constant 48 : index
        %get3A_358 = tpu.vector_load %arg15[%get3A_356, %get3A_357] {strides = array<i32>} : memref<40x128xf32, #tpu.memory_space<vmem>>, vector<1x16xf32>,
        %get3A_359 = vector.shape_cast %get3A_358 : vector<1x16xf32> to vector<16xf32>
        %get3A_360 = arith.index_cast %add3A_305 : i32 to index
        %get3A_361 = arith.constant 48 : index
        %get3A_362 = tpu.vector_load %arg16[%get3A_360, %get3A_361] {strides = array<i32>} : memref<40x128xf32, #tpu.memory_space<vmem>>, vector<1x16xf32>,
        %get3A_363 = vector.shape_cast %get3A_362 : vector<1x16xf32> to vector<16xf32>
        %add3A_364 = arith.addf %get3A_359, %get3A_363 : vector<16xf32>
        %max3A_365 = arith.constant 0.000000e+00 : f32
        %max3A_366 = vector.broadcast %max3A_365 : f32 to vector<16xf32>
        %max3A_367 = arith.maximumf %add3A_364, %max3A_366 : vector<16xf32>
        %swap3A_368 = arith.index_cast %add3A_305 : i32 to index
        %swap3A_369 = arith.constant 48 : index
        %swap3A_370 = tpu.vector_load %arg18[%swap3A_368, %swap3A_369] {strides = array<i32>} : memref<40x128xf32, #tpu.memory_space<vmem>>, vector<1x16xf32>,
        %swap3A_371 = vector.shape_cast %swap3A_370 : vector<1x16xf32> to vector<16xf32>
        %swap3A_372 = vector.shape_cast %max3A_367 : vector<16xf32> to vector<1x16xf32>
        tpu.vector_store %arg18[%swap3A_368, %swap3A_369], %swap3A_372 {strides = array<i32>} : memref<40x128xf32, #tpu.memory_space<vmem>>, vector<1x16xf32>,
        %get3A_373 = arith.index_cast %add3A_305 : i32 to index
        %get3A_374 = arith.constant 64 : index
        %get3A_375 = tpu.vector_load %arg15[%get3A_373, %get3A_374] {strides = array<i32>} : memref<40x128xf32, #tpu.memory_space<vmem>>, vector<1x16xf32>,
        %get3A_376 = vector.shape_cast %get3A_375 : vector<1x16xf32> to vector<16xf32>
        %get3A_377 = arith.index_cast %add3A_305 : i32 to index
        %get3A_378 = arith.constant 64 : index
        %get3A_379 = tpu.vector_load %arg16[%get3A_377, %get3A_378] {strides = array<i32>} : memref<40x128xf32, #tpu.memory_space<vmem>>, vector<1x16xf32>,
        %get3A_380 = vector.shape_cast %get3A_379 : vector<1x16xf32> to vector<16xf32>
        %add3A_381 = arith.addf %get3A_376, %get3A_380 : vector<16xf32>
        %max3A_382 = arith.constant 0.000000e+00 : f32
        %max3A_383 = vector.broadcast %max3A_382 : f32 to vector<16xf32>
        %max3A_384 = arith.maximumf %add3A_381, %max3A_383 : vector<16xf32>
        %swap3A_385 = arith.index_cast %add3A_305 : i32 to index
        %swap3A_386 = arith.constant 64 : index
        %swap3A_387 = tpu.vector_load %arg18[%swap3A_385, %swap3A_386] {strides = array<i32>} : memref<40x128xf32, #tpu.memory_space<vmem>>, vector<1x16xf32>,
        %swap3A_388 = vector.shape_cast %swap3A_387 : vector<1x16xf32> to vector<16xf32>
        %swap3A_389 = vector.shape_cast %max3A_384 : vector<16xf32> to vector<1x16xf32>
        tpu.vector_store %arg18[%swap3A_385, %swap3A_386], %swap3A_389 {strides = array<i32>} : memref<40x128xf32, #tpu.memory_space<vmem>>, vector<1x16xf32>,
        %get3A_390 = arith.index_cast %add3A_305 : i32 to index
        %get3A_391 = arith.constant 80 : index
        %get3A_392 = tpu.vector_load %arg15[%get3A_390, %get3A_391] {strides = array<i32>} : memref<40x128xf32, #tpu.memory_space<vmem>>, vector<1x16xf32>,
        %get3A_393 = vector.shape_cast %get3A_392 : vector<1x16xf32> to vector<16xf32>
        %get3A_394 = arith.index_cast %add3A_305 : i32 to index
        %get3A_395 = arith.constant 80 : index
        %get3A_396 = tpu.vector_load %arg16[%get3A_394, %get3A_395] {strides = array<i32>} : memref<40x128xf32, #tpu.memory_space<vmem>>, vector<1x16xf32>,
        %get3A_397 = vector.shape_cast %get3A_396 : vector<1x16xf32> to vector<16xf32>
        %add3A_398 = arith.addf %get3A_393, %get3A_397 : vector<16xf32>
        %max3A_399 = arith.constant 0.000000e+00 : f32
        %max3A_400 = vector.broadcast %max3A_399 : f32 to vector<16xf32>
        %max3A_401 = arith.maximumf %add3A_398, %max3A_400 : vector<16xf32>
        %swap3A_402 = arith.index_cast %add3A_305 : i32 to index
        %swap3A_403 = arith.constant 80 : index
        %swap3A_404 = tpu.vector_load %arg18[%swap3A_402, %swap3A_403] {strides = array<i32>} : memref<40x128xf32, #tpu.memory_space<vmem>>, vector<1x16xf32>,
        %swap3A_405 = vector.shape_cast %swap3A_404 : vector<1x16xf32> to vector<16xf32>
        %swap3A_406 = vector.shape_cast %max3A_401 : vector<16xf32> to vector<1x16xf32>
        tpu.vector_store %arg18[%swap3A_402, %swap3A_403], %swap3A_406 {strides = array<i32>} : memref<40x128xf32, #tpu.memory_space<vmem>>, vector<1x16xf32>,
        %get3A_407 = arith.index_cast %add3A_305 : i32 to index
        %get3A_408 = arith.constant 96 : index
        %get3A_409 = tpu.vector_load %arg15[%get3A_407, %get3A_408] {strides = array<i32>} : memref<40x128xf32, #tpu.memory_space<vmem>>, vector<1x16xf32>,
        %get3A_410 = vector.shape_cast %get3A_409 : vector<1x16xf32> to vector<16xf32>
        %get3A_411 = arith.index_cast %add3A_305 : i32 to index
        %get3A_412 = arith.constant 96 : index
        %get3A_413 = tpu.vector_load %arg16[%get3A_411, %get3A_412] {strides = array<i32>} : memref<40x128xf32, #tpu.memory_space<vmem>>, vector<1x16xf32>,
        %get3A_414 = vector.shape_cast %get3A_413 : vector<1x16xf32> to vector<16xf32>
        %add3A_415 = arith.addf %get3A_410, %get3A_414 : vector<16xf32>
        %max3A_416 = arith.constant 0.000000e+00 : f32
        %max3A_417 = vector.broadcast %max3A_416 : f32 to vector<16xf32>
        %max3A_418 = arith.maximumf %add3A_415, %max3A_417 : vector<16xf32>
        %swap3A_419 = arith.index_cast %add3A_305 : i32 to index
        %swap3A_420 = arith.constant 96 : index
        %swap3A_421 = tpu.vector_load %arg18[%swap3A_419, %swap3A_420] {strides = array<i32>} : memref<40x128xf32, #tpu.memory_space<vmem>>, vector<1x16xf32>,
        %swap3A_422 = vector.shape_cast %swap3A_421 : vector<1x16xf32> to vector<16xf32>
        %swap3A_423 = vector.shape_cast %max3A_418 : vector<16xf32> to vector<1x16xf32>
        tpu.vector_store %arg18[%swap3A_419, %swap3A_420], %swap3A_423 {strides = array<i32>} : memref<40x128xf32, #tpu.memory_space<vmem>>, vector<1x16xf32>,
        %get3A_424 = arith.index_cast %add3A_305 : i32 to index
        %get3A_425 = arith.constant 112 : index
        %get3A_426 = tpu.vector_load %arg15[%get3A_424, %get3A_425] {strides = array<i32>} : memref<40x128xf32, #tpu.memory_space<vmem>>, vector<1x16xf32>,
        %get3A_427 = vector.shape_cast %get3A_426 : vector<1x16xf32> to vector<16xf32>
        %get3A_428 = arith.index_cast %add3A_305 : i32 to index
        %get3A_429 = arith.constant 112 : index
        %get3A_430 = tpu.vector_load %arg16[%get3A_428, %get3A_429] {strides = array<i32>} : memref<40x128xf32, #tpu.memory_space<vmem>>, vector<1x16xf32>,
        %get3A_431 = vector.shape_cast %get3A_430 : vector<1x16xf32> to vector<16xf32>
        %add3A_432 = arith.addf %get3A_427, %get3A_431 : vector<16xf32>
        %max3A_433 = arith.constant 0.000000e+00 : f32
        %max3A_434 = vector.broadcast %max3A_433 : f32 to vector<16xf32>
        %max3A_435 = arith.maximumf %add3A_432, %max3A_434 : vector<16xf32>
        %swap3A_436 = arith.index_cast %add3A_305 : i32 to index
        %swap3A_437 = arith.constant 112 : index
        %swap3A_438 = tpu.vector_load %arg18[%swap3A_436, %swap3A_437] {strides = array<i32>} : memref<40x128xf32, #tpu.memory_space<vmem>>, vector<1x16xf32>,
        %swap3A_439 = vector.shape_cast %swap3A_438 : vector<1x16xf32> to vector<16xf32>
        %swap3A_440 = vector.shape_cast %max3A_435 : vector<16xf32> to vector<1x16xf32>
        tpu.vector_store %arg18[%swap3A_436, %swap3A_437], %swap3A_440 {strides = array<i32>} : memref<40x128xf32, #tpu.memory_space<vmem>>, vector<1x16xf32>,
        %mul3A_441 = arith.constant 2 : i32
        %mul3A_442 = arith.muli %scan3A_301, %mul3A_441 : i32
        %add3A_443 = arith.constant 1 : i32
        %add3A_444 = arith.addi %mul3A_442, %add3A_443 : i32
        %get3A_445 = arith.index_cast %add3A_444 : i32 to index
        %get3A_446 = arith.constant 0 : index
        %get3A_447 = tpu.vector_load %arg15[%get3A_445, %get3A_446] {strides = array<i32>} : memref<40x128xf32, #tpu.memory_space<vmem>>, vector<1x16xf32>,
        %get3A_448 = vector.shape_cast %get3A_447 : vector<1x16xf32> to vector<16xf32>
        %get3A_449 = arith.index_cast %add3A_444 : i32 to index
        %get3A_450 = arith.constant 0 : index
        %get3A_451 = tpu.vector_load %arg16[%get3A_449, %get3A_450] {strides = array<i32>} : memref<40x128xf32, #tpu.memory_space<vmem>>, vector<1x16xf32>,
        %get3A_452 = vector.shape_cast %get3A_451 : vector<1x16xf32> to vector<16xf32>
        %add3A_453 = arith.addf %get3A_448, %get3A_452 : vector<16xf32>
        %max3A_454 = arith.constant 0.000000e+00 : f32
        %max3A_455 = vector.broadcast %max3A_454 : f32 to vector<16xf32>
        %max3A_456 = arith.maximumf %add3A_453, %max3A_455 : vector<16xf32>
        %swap3A_457 = arith.index_cast %add3A_444 : i32 to index
        %swap3A_458 = arith.constant 0 : index
        %swap3A_459 = tpu.vector_load %arg18[%swap3A_457, %swap3A_458] {strides = array<i32>} : memref<40x128xf32, #tpu.memory_space<vmem>>, vector<1x16xf32>,
        %swap3A_460 = vector.shape_cast %swap3A_459 : vector<1x16xf32> to vector<16xf32>
        %swap3A_461 = vector.shape_cast %max3A_456 : vector<16xf32> to vector<1x16xf32>
        tpu.vector_store %arg18[%swap3A_457, %swap3A_458], %swap3A_461 {strides = array<i32>} : memref<40x128xf32, #tpu.memory_space<vmem>>, vector<1x16xf32>,
        %get3A_462 = arith.index_cast %add3A_444 : i32 to index
        %get3A_463 = arith.constant 16 : index
        %get3A_464 = tpu.vector_load %arg15[%get3A_462, %get3A_463] {strides = array<i32>} : memref<40x128xf32, #tpu.memory_space<vmem>>, vector<1x16xf32>,
        %get3A_465 = vector.shape_cast %get3A_464 : vector<1x16xf32> to vector<16xf32>
        %get3A_466 = arith.index_cast %add3A_444 : i32 to index
        %get3A_467 = arith.constant 16 : index
        %get3A_468 = tpu.vector_load %arg16[%get3A_466, %get3A_467] {strides = array<i32>} : memref<40x128xf32, #tpu.memory_space<vmem>>, vector<1x16xf32>,
        %get3A_469 = vector.shape_cast %get3A_468 : vector<1x16xf32> to vector<16xf32>
        %add3A_470 = arith.addf %get3A_465, %get3A_469 : vector<16xf32>
        %max3A_471 = arith.constant 0.000000e+00 : f32
        %max3A_472 = vector.broadcast %max3A_471 : f32 to vector<16xf32>
        %max3A_473 = arith.maximumf %add3A_470, %max3A_472 : vector<16xf32>
        %swap3A_474 = arith.index_cast %add3A_444 : i32 to index
        %swap3A_475 = arith.constant 16 : index
        %swap3A_476 = tpu.vector_load %arg18[%swap3A_474, %swap3A_475] {strides = array<i32>} : memref<40x128xf32, #tpu.memory_space<vmem>>, vector<1x16xf32>,
        %swap3A_477 = vector.shape_cast %swap3A_476 : vector<1x16xf32> to vector<16xf32>
        %swap3A_478 = vector.shape_cast %max3A_473 : vector<16xf32> to vector<1x16xf32>
        tpu.vector_store %arg18[%swap3A_474, %swap3A_475], %swap3A_478 {strides = array<i32>} : memref<40x128xf32, #tpu.memory_space<vmem>>, vector<1x16xf32>,
        %get3A_479 = arith.index_cast %add3A_444 : i32 to index
        %get3A_480 = arith.constant 32 : index
        %get3A_481 = tpu.vector_load %arg15[%get3A_479, %get3A_480] {strides = array<i32>} : memref<40x128xf32, #tpu.memory_space<vmem>>, vector<1x16xf32>,
        %get3A_482 = vector.shape_cast %get3A_481 : vector<1x16xf32> to vector<16xf32>
        %get3A_483 = arith.index_cast %add3A_444 : i32 to index
        %get3A_484 = arith.constant 32 : index
        %get3A_485 = tpu.vector_load %arg16[%get3A_483, %get3A_484] {strides = array<i32>} : memref<40x128xf32, #tpu.memory_space<vmem>>, vector<1x16xf32>,
        %get3A_486 = vector.shape_cast %get3A_485 : vector<1x16xf32> to vector<16xf32>
        %add3A_487 = arith.addf %get3A_482, %get3A_486 : vector<16xf32>
        %max3A_488 = arith.constant 0.000000e+00 : f32
        %max3A_489 = vector.broadcast %max3A_488 : f32 to vector<16xf32>
        %max3A_490 = arith.maximumf %add3A_487, %max3A_489 : vector<16xf32>
        %swap3A_491 = arith.index_cast %add3A_444 : i32 to index
        %swap3A_492 = arith.constant 32 : index
        %swap3A_493 = tpu.vector_load %arg18[%swap3A_491, %swap3A_492] {strides = array<i32>} : memref<40x128xf32, #tpu.memory_space<vmem>>, vector<1x16xf32>,
        %swap3A_494 = vector.shape_cast %swap3A_493 : vector<1x16xf32> to vector<16xf32>
        %swap3A_495 = vector.shape_cast %max3A_490 : vector<16xf32> to vector<1x16xf32>
        tpu.vector_store %arg18[%swap3A_491, %swap3A_492], %swap3A_495 {strides = array<i32>} : memref<40x128xf32, #tpu.memory_space<vmem>>, vector<1x16xf32>,
        %get3A_496 = arith.index_cast %add3A_444 : i32 to index
        %get3A_497 = arith.constant 48 : index
        %get3A_498 = tpu.vector_load %arg15[%get3A_496, %get3A_497] {strides = array<i32>} : memref<40x128xf32, #tpu.memory_space<vmem>>, vector<1x16xf32>,
        %get3A_499 = vector.shape_cast %get3A_498 : vector<1x16xf32> to vector<16xf32>
        %get3A_500 = arith.index_cast %add3A_444 : i32 to index
        %get3A_501 = arith.constant 48 : index
        %get3A_502 = tpu.vector_load %arg16[%get3A_500, %get3A_501] {strides = array<i32>} : memref<40x128xf32, #tpu.memory_space<vmem>>, vector<1x16xf32>,
        %get3A_503 = vector.shape_cast %get3A_502 : vector<1x16xf32> to vector<16xf32>
        %add3A_504 = arith.addf %get3A_499, %get3A_503 : vector<16xf32>
        %max3A_505 = arith.constant 0.000000e+00 : f32
        %max3A_506 = vector.broadcast %max3A_505 : f32 to vector<16xf32>
        %max3A_507 = arith.maximumf %add3A_504, %max3A_506 : vector<16xf32>
        %swap3A_508 = arith.index_cast %add3A_444 : i32 to index
        %swap3A_509 = arith.constant 48 : index
        %swap3A_510 = tpu.vector_load %arg18[%swap3A_508, %swap3A_509] {strides = array<i32>} : memref<40x128xf32, #tpu.memory_space<vmem>>, vector<1x16xf32>,
        %swap3A_511 = vector.shape_cast %swap3A_510 : vector<1x16xf32> to vector<16xf32>
        %swap3A_512 = vector.shape_cast %max3A_507 : vector<16xf32> to vector<1x16xf32>
        tpu.vector_store %arg18[%swap3A_508, %swap3A_509], %swap3A_512 {strides = array<i32>} : memref<40x128xf32, #tpu.memory_space<vmem>>, vector<1x16xf32>,
        %get3A_513 = arith.index_cast %add3A_444 : i32 to index
        %get3A_514 = arith.constant 64 : index
        %get3A_515 = tpu.vector_load %arg15[%get3A_513, %get3A_514] {strides = array<i32>} : memref<40x128xf32, #tpu.memory_space<vmem>>, vector<1x16xf32>,
        %get3A_516 = vector.shape_cast %get3A_515 : vector<1x16xf32> to vector<16xf32>
        %get3A_517 = arith.index_cast %add3A_444 : i32 to index
        %get3A_518 = arith.constant 64 : index
        %get3A_519 = tpu.vector_load %arg16[%get3A_517, %get3A_518] {strides = array<i32>} : memref<40x128xf32, #tpu.memory_space<vmem>>, vector<1x16xf32>,
        %get3A_520 = vector.shape_cast %get3A_519 : vector<1x16xf32> to vector<16xf32>
        %add3A_521 = arith.addf %get3A_516, %get3A_520 : vector<16xf32>
        %max3A_522 = arith.constant 0.000000e+00 : f32
        %max3A_523 = vector.broadcast %max3A_522 : f32 to vector<16xf32>
        %max3A_524 = arith.maximumf %add3A_521, %max3A_523 : vector<16xf32>
        %swap3A_525 = arith.index_cast %add3A_444 : i32 to index
        %swap3A_526 = arith.constant 64 : index
        %swap3A_527 = tpu.vector_load %arg18[%swap3A_525, %swap3A_526] {strides = array<i32>} : memref<40x128xf32, #tpu.memory_space<vmem>>, vector<1x16xf32>,
        %swap3A_528 = vector.shape_cast %swap3A_527 : vector<1x16xf32> to vector<16xf32>
        %swap3A_529 = vector.shape_cast %max3A_524 : vector<16xf32> to vector<1x16xf32>
        tpu.vector_store %arg18[%swap3A_525, %swap3A_526], %swap3A_529 {strides = array<i32>} : memref<40x128xf32, #tpu.memory_space<vmem>>, vector<1x16xf32>,
        %get3A_530 = arith.index_cast %add3A_444 : i32 to index
        %get3A_531 = arith.constant 80 : index
        %get3A_532 = tpu.vector_load %arg15[%get3A_530, %get3A_531] {strides = array<i32>} : memref<40x128xf32, #tpu.memory_space<vmem>>, vector<1x16xf32>,
        %get3A_533 = vector.shape_cast %get3A_532 : vector<1x16xf32> to vector<16xf32>
        %get3A_534 = arith.index_cast %add3A_444 : i32 to index
        %get3A_535 = arith.constant 80 : index
        %get3A_536 = tpu.vector_load %arg16[%get3A_534, %get3A_535] {strides = array<i32>} : memref<40x128xf32, #tpu.memory_space<vmem>>, vector<1x16xf32>,
        %get3A_537 = vector.shape_cast %get3A_536 : vector<1x16xf32> to vector<16xf32>
        %add3A_538 = arith.addf %get3A_533, %get3A_537 : vector<16xf32>
        %max3A_539 = arith.constant 0.000000e+00 : f32
        %max3A_540 = vector.broadcast %max3A_539 : f32 to vector<16xf32>
        %max3A_541 = arith.maximumf %add3A_538, %max3A_540 : vector<16xf32>
        %swap3A_542 = arith.index_cast %add3A_444 : i32 to index
        %swap3A_543 = arith.constant 80 : index
        %swap3A_544 = tpu.vector_load %arg18[%swap3A_542, %swap3A_543] {strides = array<i32>} : memref<40x128xf32, #tpu.memory_space<vmem>>, vector<1x16xf32>,
        %swap3A_545 = vector.shape_cast %swap3A_544 : vector<1x16xf32> to vector<16xf32>
        %swap3A_546 = vector.shape_cast %max3A_541 : vector<16xf32> to vector<1x16xf32>
        tpu.vector_store %arg18[%swap3A_542, %swap3A_543], %swap3A_546 {strides = array<i32>} : memref<40x128xf32, #tpu.memory_space<vmem>>, vector<1x16xf32>,
        %get3A_547 = arith.index_cast %add3A_444 : i32 to index
        %get3A_548 = arith.constant 96 : index
        %get3A_549 = tpu.vector_load %arg15[%get3A_547, %get3A_548] {strides = array<i32>} : memref<40x128xf32, #tpu.memory_space<vmem>>, vector<1x16xf32>,
        %get3A_550 = vector.shape_cast %get3A_549 : vector<1x16xf32> to vector<16xf32>
        %get3A_551 = arith.index_cast %add3A_444 : i32 to index
        %get3A_552 = arith.constant 96 : index
        %get3A_553 = tpu.vector_load %arg16[%get3A_551, %get3A_552] {strides = array<i32>} : memref<40x128xf32, #tpu.memory_space<vmem>>, vector<1x16xf32>,
        %get3A_554 = vector.shape_cast %get3A_553 : vector<1x16xf32> to vector<16xf32>
        %add3A_555 = arith.addf %get3A_550, %get3A_554 : vector<16xf32>
        %max3A_556 = arith.constant 0.000000e+00 : f32
        %max3A_557 = vector.broadcast %max3A_556 : f32 to vector<16xf32>
        %max3A_558 = arith.maximumf %add3A_555, %max3A_557 : vector<16xf32>
        %swap3A_559 = arith.index_cast %add3A_444 : i32 to index
        %swap3A_560 = arith.constant 96 : index
        %swap3A_561 = tpu.vector_load %arg18[%swap3A_559, %swap3A_560] {strides = array<i32>} : memref<40x128xf32, #tpu.memory_space<vmem>>, vector<1x16xf32>,
        %swap3A_562 = vector.shape_cast %swap3A_561 : vector<1x16xf32> to vector<16xf32>
        %swap3A_563 = vector.shape_cast %max3A_558 : vector<16xf32> to vector<1x16xf32>
        tpu.vector_store %arg18[%swap3A_559, %swap3A_560], %swap3A_563 {strides = array<i32>} : memref<40x128xf32, #tpu.memory_space<vmem>>, vector<1x16xf32>,
        %get3A_564 = arith.index_cast %add3A_444 : i32 to index
        %get3A_565 = arith.constant 112 : index
        %get3A_566 = tpu.vector_load %arg15[%get3A_564, %get3A_565] {strides = array<i32>} : memref<40x128xf32, #tpu.memory_space<vmem>>, vector<1x16xf32>,
        %get3A_567 = vector.shape_cast %get3A_566 : vector<1x16xf32> to vector<16xf32>
        %get3A_568 = arith.index_cast %add3A_444 : i32 to index
        %get3A_569 = arith.constant 112 : index
        %get3A_570 = tpu.vector_load %arg16[%get3A_568, %get3A_569] {strides = array<i32>} : memref<40x128xf32, #tpu.memory_space<vmem>>, vector<1x16xf32>,
        %get3A_571 = vector.shape_cast %get3A_570 : vector<1x16xf32> to vector<16xf32>
        %add3A_572 = arith.addf %get3A_567, %get3A_571 : vector<16xf32>
        %max3A_573 = arith.constant 0.000000e+00 : f32
        %max3A_574 = vector.broadcast %max3A_573 : f32 to vector<16xf32>
        %max3A_575 = arith.maximumf %add3A_572, %max3A_574 : vector<16xf32>
        %swap3A_576 = arith.index_cast %add3A_444 : i32 to index
        %swap3A_577 = arith.constant 112 : index
        %swap3A_578 = tpu.vector_load %arg18[%swap3A_576, %swap3A_577] {strides = array<i32>} : memref<40x128xf32, #tpu.memory_space<vmem>>, vector<1x16xf32>,
        %swap3A_579 = vector.shape_cast %swap3A_578 : vector<1x16xf32> to vector<16xf32>
        %swap3A_580 = vector.shape_cast %max3A_575 : vector<16xf32> to vector<1x16xf32>
        tpu.vector_store %arg18[%swap3A_576, %swap3A_577], %swap3A_580 {strides = array<i32>} : memref<40x128xf32, #tpu.memory_space<vmem>>, vector<1x16xf32>,
      }
      %scan3A_290 = arith.constant 20 : i32
      %dma_start3A_291 = arith.constant 0 : i32
      %dma_start3A_292 = arith.constant 0 : i32
      %dma_start3A_293 = tpu.memref_slice %arg19[%dma_start3A_291, %dma_start3A_292] : memref<10112x128xf32, #tpu.memory_space<vmem_shared>> -> memref<10112x128xf32, #tpu.memory_space<vmem_shared>>
      tpu.enqueue_indirect_dma source(%arg18 : memref<40x128xf32, #tpu.memory_space<vmem>>) target(%dma_start3A_293 : memref<10112x128xf32, #tpu.memory_space<vmem_shared>>) offsets(%arg12 : memref<40xi32, #tpu.memory_space<vmem>>) semaphore(%arg25 : memref<!tpu.dma_semaphore, #tpu.memory_space<semaphore_mem>>) {add = true}
      %add3A_294 = arith.constant 2 : i32
      %add3A_295 = arith.addi %add3A_231, %add3A_294 : i32
      %lt3A_296 = arith.constant 250 : i32
      %lt3A_297 = arith.cmpi slt, %add3A_295, %lt3A_296 : i32
      %convert_element_type3A_298 = arith.extui %lt3A_297 : i1 to i32
      %cond3A_299 = arith.constant 0 : i32
      %cond3A_300 = arith.cmpi ne, %convert_element_type3A_298, %cond3A_299 : i32
      scf.if %cond3A_300 {
        %add3A_301 = arith.constant 2 : i32
        %add3A_302 = arith.addi %add3A_231, %add3A_301 : i32
        %mul3A_303 = arith.constant 40 : i32
        %mul3A_304 = arith.muli %add3A_302, %mul3A_303 : i32
        %add3A_305 = arith.constant 0 : i32
        %add3A_306 = arith.addi %mul3A_304, %add3A_305 : i32
        %get3A_307 = arith.index_cast %add3A_306 : i32 to index
        %get3A_308 = tpu.vector_load %arg6[%get3A_307] {strides = array<i32>} : memref<10000xi32, #tpu.memory_space<vmem>>, vector<16xi32>,
        %get3A_309 = vector.shape_cast %get3A_308 : vector<16xi32> to vector<16xi32>
        %and3A_310 = arith.andi %get3A_309, %broadcast_in_dim3A_48 : vector<16xi32>
        %swap3A_311 = arith.constant 0 : index
        %swap3A_312 = tpu.vector_load %arg8[%swap3A_311] {strides = array<i32>} : memref<40xi32, #tpu.memory_space<vmem>>, vector<16xi32>,
        %swap3A_313 = vector.shape_cast %swap3A_312 : vector<16xi32> to vector<16xi32>
        %swap3A_314 = vector.shape_cast %and3A_310 : vector<16xi32> to vector<16xi32>
        tpu.vector_store %arg8[%swap3A_311], %swap3A_314 {strides = array<i32>} : memref<40xi32, #tpu.memory_space<vmem>>, vector<16xi32>,
        %shift_right_logical3A_315 = arith.constant 14 : i32
        %shift_right_logical3A_316 = vector.broadcast %shift_right_logical3A_315 : i32 to vector<16xi32>
        %shift_right_logical3A_317 = arith.shrui %get3A_309, %shift_right_logical3A_316 : vector<16xi32>
        %swap3A_318 = arith.constant 0 : index
        %swap3A_319 = tpu.vector_load %arg10[%swap3A_318] {strides = array<i32>} : memref<40xi32, #tpu.memory_space<vmem>>, vector<16xi32>,
        %swap3A_320 = vector.shape_cast %swap3A_319 : vector<16xi32> to vector<16xi32>
        %swap3A_321 = vector.shape_cast %shift_right_logical3A_317 : vector<16xi32> to vector<16xi32>
        tpu.vector_store %arg10[%swap3A_318], %swap3A_321 {strides = array<i32>} : memref<40xi32, #tpu.memory_space<vmem>>, vector<16xi32>,
        %mul3A_322 = arith.constant 40 : i32
        %mul3A_323 = arith.muli %add3A_302, %mul3A_322 : i32
        %add3A_324 = arith.constant 16 : i32
        %add3A_325 = arith.addi %mul3A_323, %add3A_324 : i32
        %get3A_326 = arith.index_cast %add3A_325 : i32 to index
        %get3A_327 = tpu.vector_load %arg6[%get3A_326] {strides = array<i32>} : memref<10000xi32, #tpu.memory_space<vmem>>, vector<16xi32>,
        %get3A_328 = vector.shape_cast %get3A_327 : vector<16xi32> to vector<16xi32>
        %and3A_329 = arith.andi %get3A_328, %broadcast_in_dim3A_48 : vector<16xi32>
        %swap3A_330 = arith.constant 16 : index
        %swap3A_331 = tpu.vector_load %arg8[%swap3A_330] {strides = array<i32>} : memref<40xi32, #tpu.memory_space<vmem>>, vector<16xi32>,
        %swap3A_332 = vector.shape_cast %swap3A_331 : vector<16xi32> to vector<16xi32>
        %swap3A_333 = vector.shape_cast %and3A_329 : vector<16xi32> to vector<16xi32>
        tpu.vector_store %arg8[%swap3A_330], %swap3A_333 {strides = array<i32>} : memref<40xi32, #tpu.memory_space<vmem>>, vector<16xi32>,
        %shift_right_logical3A_334 = arith.constant 14 : i32
        %shift_right_logical3A_335 = vector.broadcast %shift_right_logical3A_334 : i32 to vector<16xi32>
        %shift_right_logical3A_336 = arith.shrui %get3A_328, %shift_right_logical3A_335 : vector<16xi32>
        %swap3A_337 = arith.constant 16 : index
        %swap3A_338 = tpu.vector_load %arg10[%swap3A_337] {strides = array<i32>} : memref<40xi32, #tpu.memory_space<vmem>>, vector<16xi32>,
        %swap3A_339 = vector.shape_cast %swap3A_338 : vector<16xi32> to vector<16xi32>
        %swap3A_340 = vector.shape_cast %shift_right_logical3A_336 : vector<16xi32> to vector<16xi32>
        tpu.vector_store %arg10[%swap3A_337], %swap3A_340 {strides = array<i32>} : memref<40xi32, #tpu.memory_space<vmem>>, vector<16xi32>,
        %mul3A_341 = arith.constant 40 : i32
        %mul3A_342 = arith.muli %add3A_302, %mul3A_341 : i32
        %add3A_343 = arith.constant 24 : i32
        %add3A_344 = arith.addi %mul3A_342, %add3A_343 : i32
        %get3A_345 = arith.index_cast %add3A_344 : i32 to index
        %get3A_346 = tpu.vector_load %arg6[%get3A_345] {strides = array<i32>} : memref<10000xi32, #tpu.memory_space<vmem>>, vector<16xi32>,
        %get3A_347 = vector.shape_cast %get3A_346 : vector<16xi32> to vector<16xi32>
        %and3A_348 = arith.andi %get3A_347, %broadcast_in_dim3A_48 : vector<16xi32>
        %swap3A_349 = arith.constant 24 : index
        %swap3A_350 = tpu.vector_load %arg8[%swap3A_349] {strides = array<i32>} : memref<40xi32, #tpu.memory_space<vmem>>, vector<16xi32>,
        %swap3A_351 = vector.shape_cast %swap3A_350 : vector<16xi32> to vector<16xi32>
        %swap3A_352 = vector.shape_cast %and3A_348 : vector<16xi32> to vector<16xi32>
        tpu.vector_store %arg8[%swap3A_349], %swap3A_352 {strides = array<i32>} : memref<40xi32, #tpu.memory_space<vmem>>, vector<16xi32>,
        %shift_right_logical3A_353 = arith.constant 14 : i32
        %shift_right_logical3A_354 = vector.broadcast %shift_right_logical3A_353 : i32 to vector<16xi32>
        %shift_right_logical3A_355 = arith.shrui %get3A_347, %shift_right_logical3A_354 : vector<16xi32>
        %swap3A_356 = arith.constant 24 : index
        %swap3A_357 = tpu.vector_load %arg10[%swap3A_356] {strides = array<i32>} : memref<40xi32, #tpu.memory_space<vmem>>, vector<16xi32>,
        %swap3A_358 = vector.shape_cast %swap3A_357 : vector<16xi32> to vector<16xi32>
        %swap3A_359 = vector.shape_cast %shift_right_logical3A_355 : vector<16xi32> to vector<16xi32>
        tpu.vector_store %arg10[%swap3A_356], %swap3A_359 {strides = array<i32>} : memref<40xi32, #tpu.memory_space<vmem>>, vector<16xi32>,
        %dma_start3A_360 = arith.constant 0 : i32
        %dma_start3A_361 = arith.constant 0 : i32
        %dma_start3A_362 = tpu.memref_slice %arg2[%dma_start3A_360, %dma_start3A_361] : memref<10000x128xf32, #tpu.memory_space<hbm>> -> memref<10000x128xf32, #tpu.memory_space<hbm>>
        tpu.enqueue_indirect_dma source(%dma_start3A_362 : memref<10000x128xf32, #tpu.memory_space<hbm>>) target(%arg15 : memref<40x128xf32, #tpu.memory_space<vmem>>) offsets(%arg8 : memref<40xi32, #tpu.memory_space<vmem>>) semaphore(%arg22 : memref<!tpu.dma_semaphore, #tpu.memory_space<semaphore_mem>>)
        %dma_start3A_363 = arith.constant 0 : i32
        %dma_start3A_364 = arith.constant 0 : i32
        %dma_start3A_365 = tpu.memref_slice %arg3[%dma_start3A_363, %dma_start3A_364] : memref<10000x128xf32, #tpu.memory_space<hbm>> -> memref<10000x128xf32, #tpu.memory_space<hbm>>
        tpu.enqueue_indirect_dma source(%dma_start3A_365 : memref<10000x128xf32, #tpu.memory_space<hbm>>) target(%arg16 : memref<40x128xf32, #tpu.memory_space<vmem>>) offsets(%arg10 : memref<40xi32, #tpu.memory_space<vmem>>) semaphore(%arg23 : memref<!tpu.dma_semaphore, #tpu.memory_space<semaphore_mem>>)
      } else {
      }
    }
    %scan3A_152 = arith.constant 125 : i32
    %dma_wait3A_153 = arith.constant 0 : i32
    %dma_wait3A_154 = arith.constant 0 : i32
    %dma_wait3A_155 = tpu.memref_slice %arg19[%dma_wait3A_153, %dma_wait3A_154] : memref<10112x128xf32, #tpu.memory_space<vmem_shared>> -> memref<10112x128xf32, #tpu.memory_space<vmem_shared>>
    tpu.wait_indirect_dma semaphore(%arg24 : memref<!tpu.dma_semaphore, #tpu.memory_space<semaphore_mem>>) src(%arg17 : memref<40x128xf32, #tpu.memory_space<vmem>>) dst(%dma_wait3A_155 : memref<10112x128xf32, #tpu.memory_space<vmem_shared>>)
    %dma_wait3A_156 = arith.constant 0 : i32
    %dma_wait3A_157 = arith.constant 0 : i32
    %dma_wait3A_158 = tpu.memref_slice %arg19[%dma_wait3A_156, %dma_wait3A_157] : memref<10112x128xf32, #tpu.memory_space<vmem_shared>> -> memref<10112x128xf32, #tpu.memory_space<vmem_shared>>
    tpu.wait_indirect_dma semaphore(%arg25 : memref<!tpu.dma_semaphore, #tpu.memory_space<semaphore_mem>>) src(%arg18 : memref<40x128xf32, #tpu.memory_space<vmem>>) dst(%dma_wait3A_158 : memref<10112x128xf32, #tpu.memory_space<vmem_shared>>)
    %barrier3A_159 = arith.constant 0 : index
    tpu.barrier barrier_id(%barrier3A_159)
    "tpu.region"() ({
      %run_scoped3A = tpu.sem_alloc : memref<!tpu.dma_semaphore, #tpu.memory_space<semaphore_mem>>
      %dma_start3A_160 = arith.constant 0 : i32
      %dma_start3A_161 = tpu.memref_slice %arg5[%arg0, %mul3A_11, %dma_start3A_160] : memref<2x10112x128xf32, #tpu.memory_space<hbm>> -> memref<1x632x128xf32, #tpu.memory_space<hbm>>
      %dma_start3A_162 = tpu.memref_squeeze %dma_start3A_161 : memref<1x632x128xf32, #tpu.memory_space<hbm>> -> memref<632x128xf32, #tpu.memory_space<hbm>>
      %dma_start3A_163 = arith.constant 0 : i32
      %dma_start3A_164 = tpu.memref_slice %arg19[%mul3A_11, %dma_start3A_163] : memref<10112x128xf32, #tpu.memory_space<vmem_shared>> -> memref<632x128xf32, #tpu.memory_space<vmem_shared>>
      tpu.enqueue_dma source(%dma_start3A_164 : memref<632x128xf32, #tpu.memory_space<vmem_shared>>) target(%dma_start3A_162 : memref<632x128xf32, #tpu.memory_space<hbm>>) target_semaphore(%run_scoped3A : memref<!tpu.dma_semaphore, #tpu.memory_space<semaphore_mem>>)
      %dma_wait3A_165 = arith.constant 0 : i32
      %dma_wait3A_166 = tpu.memref_slice %arg5[%arg0, %mul3A_11, %dma_wait3A_165] : memref<2x10112x128xf32, #tpu.memory_space<hbm>> -> memref<1x632x128xf32, #tpu.memory_space<hbm>>
      %dma_wait3A_167 = tpu.memref_squeeze %dma_wait3A_166 : memref<1x632x128xf32, #tpu.memory_space<hbm>> -> memref<632x128xf32, #tpu.memory_space<hbm>>
      %dma_wait3A_168 = arith.constant 0 : i32
      %dma_wait3A_169 = tpu.memref_slice %arg19[%mul3A_11, %dma_wait3A_168] : memref<10112x128xf32, #tpu.memory_space<vmem_shared>> -> memref<632x128xf32, #tpu.memory_space<vmem_shared>>
      tpu.wait_dma2 semaphore(%run_scoped3A : memref<!tpu.dma_semaphore, #tpu.memory_space<semaphore_mem>>) src(%dma_wait3A_169 : memref<632x128xf32, #tpu.memory_space<vmem_shared>>) dst(%dma_wait3A_167 : memref<632x128xf32, #tpu.memory_space<hbm>>)
      tpu.yield
    }) : () -> ()
    return
  }
}

module attributes {stable_mosaic.version = 14 : i64} {
  func.func @_pre_body(%arg0: i32, %arg1: memref<1000x128xf32, #tpu.memory_space<vmem>>, %arg2: memref<128x128xf32, #tpu.memory_space<vmem>>, %arg3: memref<128x128xf32, #tpu.memory_space<vmem>>, %arg4: memref<1000x128xf32, #tpu.memory_space<vmem>>, %arg5: memref<1000x128xf32, #tpu.memory_space<vmem>>) attributes {dimension_semantics = [#tpu.dimension_semantics<arbitrary>], iteration_bounds = array<i64: 10>, scalar_prefetch = 0 : i64, scratch_operands = 0 : i64, tpu.core_type = #tpu.core_type<tc>, window_params = [{transform_indices = @transform_0, window_bounds = array<i64: 1000, 128>}, {pipeline_mode = #tpu.pipeline_mode<synchronous>, transform_indices = @transform_1, window_bounds = array<i64: 128, 128>}, {pipeline_mode = #tpu.pipeline_mode<synchronous>, transform_indices = @transform_2, window_bounds = array<i64: 128, 128>}, {transform_indices = @transform_3, window_bounds = array<i64: 1000, 128>}, {transform_indices = @transform_4, window_bounds = array<i64: 1000, 128>}]} {
    %get3A = arith.constant 0 : index
    %get3A_0 = arith.constant 0 : index
    %get3A_1 = vector.load %arg1[%get3A, %get3A_0] : memref<1000x128xf32, #tpu.memory_space<vmem>>, vector<1000x128xf32>
    %get3A_2 = arith.constant 0 : index
    %get3A_3 = arith.constant 0 : index
    %get3A_4 = vector.load %arg2[%get3A_2, %get3A_3] : memref<128x128xf32, #tpu.memory_space<vmem>>, vector<128x128xf32>
    %dot_general3A = arith.constant dense<0.000000e+00> : vector<1000x128xf32>
    %dot_general3A_5 = tpu.matmul %get3A_1, %get3A_4, %dot_general3A {dimension_numbers = #tpu.dot_dimension_numbers<[1], [0], [0], [1], [0, 0, 1, 1], [], []>, transpose_lhs_hint = false} : vector<1000x128xf32>, vector<128x128xf32>, vector<1000x128xf32> -> vector<1000x128xf32>
    %swap3A = arith.constant 0 : index
    %swap3A_6 = arith.constant 0 : index
    %swap3A_7 = vector.load %arg4[%swap3A, %swap3A_6] : memref<1000x128xf32, #tpu.memory_space<vmem>>, vector<1000x128xf32>
    tpu.vector_store %arg4[%swap3A, %swap3A_6], %dot_general3A_5 {strides = array<i32>} : memref<1000x128xf32, #tpu.memory_space<vmem>>, vector<1000x128xf32>,
    %get3A_8 = arith.constant 0 : index
    %get3A_9 = arith.constant 0 : index
    %get3A_10 = vector.load %arg3[%get3A_8, %get3A_9] : memref<128x128xf32, #tpu.memory_space<vmem>>, vector<128x128xf32>
    %dot_general3A_11 = arith.constant dense<0.000000e+00> : vector<1000x128xf32>
    %dot_general3A_12 = tpu.matmul %get3A_1, %get3A_10, %dot_general3A_11 {dimension_numbers = #tpu.dot_dimension_numbers<[1], [0], [0], [1], [0, 0, 1, 1], [], []>, transpose_lhs_hint = false} : vector<1000x128xf32>, vector<128x128xf32>, vector<1000x128xf32> -> vector<1000x128xf32>
    %swap3A_13 = arith.constant 0 : index
    %swap3A_14 = arith.constant 0 : index
    %swap3A_15 = vector.load %arg5[%swap3A_13, %swap3A_14] : memref<1000x128xf32, #tpu.memory_space<vmem>>, vector<1000x128xf32>
    tpu.vector_store %arg5[%swap3A_13, %swap3A_14], %dot_general3A_12 {strides = array<i32>} : memref<1000x128xf32, #tpu.memory_space<vmem>>, vector<1000x128xf32>,
    return
  }
  func.func @transform_0(%arg0: i32) -> (i32, i32) {
    %c0_i32 = arith.constant 0 : i32
    %c0_i32_0 = arith.constant 0 : i32
    return %arg0, %c0_i32 : i32, i32
  }
  func.func @transform_1(%arg0: i32) -> (i32, i32) {
    %c0_i32 = arith.constant 0 : i32
    %c0_i32_0 = arith.constant 0 : i32
    %c0_i32_1 = arith.constant 0 : i32
    return %c0_i32, %c0_i32_0 : i32, i32
  }
  func.func @transform_2(%arg0: i32) -> (i32, i32) {
    %c0_i32 = arith.constant 0 : i32
    %c0_i32_0 = arith.constant 0 : i32
    %c0_i32_1 = arith.constant 0 : i32
    return %c0_i32, %c0_i32_0 : i32, i32
  }
  func.func @transform_3(%arg0: i32) -> (i32, i32) {
    %c0_i32 = arith.constant 0 : i32
    %c0_i32_0 = arith.constant 0 : i32
    return %arg0, %c0_i32 : i32, i32
  }
  func.func @transform_4(%arg0: i32) -> (i32, i32) {
    %c0_i32 = arith.constant 0 : i32
    %c0_i32_0 = arith.constant 0 : i32
    return %arg0, %c0_i32 : i32, i32
  }
}

module attributes {stable_mosaic.version = 14 : i64} {
  func.func @_post_body(%arg0: i32, %arg1: memref<1000x128xf32, #tpu.memory_space<vmem>>, %arg2: memref<1000x128xf32, #tpu.memory_space<vmem>>, %arg3: memref<1000x128xf32, #tpu.memory_space<vmem>>, %arg4: memref<128x128xf32, #tpu.memory_space<vmem>>, %arg5: memref<128x128xf32, #tpu.memory_space<vmem>>, %arg6: memref<1000x128xf32, #tpu.memory_space<vmem>>) attributes {dimension_semantics = [#tpu.dimension_semantics<arbitrary>], iteration_bounds = array<i64: 10>, scalar_prefetch = 0 : i64, scratch_operands = 0 : i64, tpu.core_type = #tpu.core_type<tc>, window_params = [{transform_indices = @transform_0, window_bounds = array<i64: 1000, 128>}, {transform_indices = @transform_1, window_bounds = array<i64: 1000, 128>}, {transform_indices = @transform_2, window_bounds = array<i64: 1000, 128>}, {pipeline_mode = #tpu.pipeline_mode<synchronous>, transform_indices = @transform_3, window_bounds = array<i64: 128, 128>}, {pipeline_mode = #tpu.pipeline_mode<synchronous>, transform_indices = @transform_4, window_bounds = array<i64: 128, 128>}, {transform_indices = @transform_5, window_bounds = array<i64: 1000, 128>}]} {
    %get3A = arith.constant 0 : index
    %get3A_0 = arith.constant 0 : index
    %get3A_1 = vector.load %arg1[%get3A, %get3A_0] : memref<1000x128xf32, #tpu.memory_space<vmem>>, vector<1000x128xf32>
    %get3A_2 = arith.constant 0 : index
    %get3A_3 = arith.constant 0 : index
    %get3A_4 = vector.load %arg4[%get3A_2, %get3A_3] : memref<128x128xf32, #tpu.memory_space<vmem>>, vector<128x128xf32>
    %dot_general3A = arith.constant dense<0.000000e+00> : vector<1000x128xf32>
    %dot_general3A_5 = tpu.matmul %get3A_1, %get3A_4, %dot_general3A {dimension_numbers = #tpu.dot_dimension_numbers<[1], [0], [0], [1], [0, 0, 1, 1], [], []>, transpose_lhs_hint = false} : vector<1000x128xf32>, vector<128x128xf32>, vector<1000x128xf32> -> vector<1000x128xf32>
    %get3A_6 = arith.constant 0 : index
    %get3A_7 = arith.constant 0 : index
    %get3A_8 = vector.load %arg2[%get3A_6, %get3A_7] : memref<1000x128xf32, #tpu.memory_space<vmem>>, vector<1000x128xf32>
    %get3A_9 = arith.constant 0 : index
    %get3A_10 = arith.constant 0 : index
    %get3A_11 = vector.load %arg3[%get3A_9, %get3A_10] : memref<1000x128xf32, #tpu.memory_space<vmem>>, vector<1000x128xf32>
    %add3A = arith.addf %get3A_8, %get3A_11 : vector<1000x128xf32>
    %get3A_12 = arith.constant 0 : index
    %get3A_13 = arith.constant 0 : index
    %get3A_14 = vector.load %arg5[%get3A_12, %get3A_13] : memref<128x128xf32, #tpu.memory_space<vmem>>, vector<128x128xf32>
    %dot_general3A_15 = arith.constant dense<0.000000e+00> : vector<1000x128xf32>
    %dot_general3A_16 = tpu.matmul %add3A, %get3A_14, %dot_general3A_15 {dimension_numbers = #tpu.dot_dimension_numbers<[1], [0], [0], [1], [0, 0, 1, 1], [], []>, transpose_lhs_hint = false} : vector<1000x128xf32>, vector<128x128xf32>, vector<1000x128xf32> -> vector<1000x128xf32>
    %add3A_17 = arith.addf %dot_general3A_5, %dot_general3A_16 : vector<1000x128xf32>
    %max3A = arith.constant 0.000000e+00 : f32
    %max3A_18 = vector.broadcast %max3A : f32 to vector<1000x128xf32>
    %max3A_19 = arith.maximumf %add3A_17, %max3A_18 : vector<1000x128xf32>
    %swap3A = arith.constant 0 : index
    %swap3A_20 = arith.constant 0 : index
    %swap3A_21 = vector.load %arg6[%swap3A, %swap3A_20] : memref<1000x128xf32, #tpu.memory_space<vmem>>, vector<1000x128xf32>
    tpu.vector_store %arg6[%swap3A, %swap3A_20], %max3A_19 {strides = array<i32>} : memref<1000x128xf32, #tpu.memory_space<vmem>>, vector<1000x128xf32>,
    return
  }
  func.func @transform_0(%arg0: i32) -> (i32, i32) {
    %c0_i32 = arith.constant 0 : i32
    %c0_i32_0 = arith.constant 0 : i32
    return %arg0, %c0_i32 : i32, i32
  }
  func.func @transform_1(%arg0: i32) -> (i32, i32) {
    %c0_i32 = arith.constant 0 : i32
    %c0_i32_0 = arith.constant 0 : i32
    return %arg0, %c0_i32 : i32, i32
  }
  func.func @transform_2(%arg0: i32) -> (i32, i32) {
    %c0_i32 = arith.constant 0 : i32
    %c0_i32_0 = arith.constant 0 : i32
    return %arg0, %c0_i32 : i32, i32
  }
  func.func @transform_3(%arg0: i32) -> (i32, i32) {
    %c0_i32 = arith.constant 0 : i32
    %c0_i32_0 = arith.constant 0 : i32
    %c0_i32_1 = arith.constant 0 : i32
    return %c0_i32, %c0_i32_0 : i32, i32
  }
  func.func @transform_4(%arg0: i32) -> (i32, i32) {
    %c0_i32 = arith.constant 0 : i32
    %c0_i32_0 = arith.constant 0 : i32
    %c0_i32_1 = arith.constant 0 : i32
    return %c0_i32, %c0_i32_0 : i32, i32
  }
  func.func @transform_5(%arg0: i32) -> (i32, i32) {
    %c0_i32 = arith.constant 0 : i32
    %c0_i32_0 = arith.constant 0 : i32
    return %arg0, %c0_i32 : i32, i32
  }
}

</mosaic_0001>

<sc_bundles>
// kernel: kernel.5.cloned.1.call-start
scs
__scs_entry_jumppad:
0x0: {  	(pc) =	sbr.rel $0x88, $3  }
0x1: {  	(tag) =	ssettag $0x0;
	lr =	simm.s32 $0x1  }
0x2: {  	[smem:$0x3F9B] =	sst lr;
	_ =	strace $0xD0000000  }
0x3: {  	_ = 	snop  }
0x4: {  	_ = 	snop  }
0x5: {  	_ = 	snop  }
0x6: {  	_ = 	snop  }
0x7: {  	_ = 	snop  }
__scs_overlays_trampoline_lowered:
0x8: {  	[smem:$0x3FAA] =	sst s0  }
0x9: {  	[smem:$0x3FAB] =	sst s1  }
0xa: {  	[smem:$0x3FAC] =	sst s2  }
0xb: {  	[smem:$0x3FAD] =	sst s3  }
0xc: {  	[smem:$0x3FAE] =	sst s4  }
0xd: {  	[smem:$0x3FAF] =	sst s5  }
0xe: {  	[smem:$0x3FB0] =	sst s6  }
0xf: {  	[smem:$0x3FB1] =	sst s7  }
0x10: {  	[smem:$0x3FB2] =	sst s8  }
0x11: {  	[smem:$0x3FB3] =	sst s9;
	s0 =	simm.s32 @!p0 $0x0  }
0x12: {  	s1 =	sld [smem:$0x3F99];
	s0 =	simm.s32 @p0 $0x1  }
0x13: {  	[smem:$0x3FB4] =	sst s0;
	s0 =	simm.s32 @!p1 $0x0  }
0x14: {  	s2 =	sld [smem:$0x3F98];
	s0 =	simm.s32 @p1 $0x1  }
0x15: {  	[smem:$0x3FB5] =	sst s0;
	s0 =	simm.s32 @!p2 $0x0  }
0x16: {  	s3 =	sld [smem:$0x3FDB];
	s0 =	simm.s32 @p2 $0x1  }
0x17: {  	s4 =	simm.s32 $0x1BF5;
	[smem:$0x3FB7] =	sst s0  }
0x18: {  	s0 =	sld [smem:$0x3F9A];
	_ =	swait.ge [sflag:s4], $0x0  }
0x19: {  	s7 =	sld [smem:$0x3F9B]  }
0x1a: {  	s8 =	sadd.s32 $0xFFFFE003, lr  }
0x1b: {  	s9 =	sadd.s32 $0xFFFFFEF7, lr;
	s5 =	simm.s32 $0xFFFFFFFF;
	p2 =	slt.u32 s8, $0xFFFFF086  }
0x1c: {  	p1 =	slt.u32 s9, $0xF7A;
	s5 =	simm.s32 @!p2 $0x0  }
0x1d: {  	s5 =	simm.s32 @p1 $0x1;
	p0 =	seq.s32 s7, s2  }
0x1e: {  	s7 =	smul.u32 @!p0 $0xF7A, s2;
	p2 =	seq.s32 @!p0 s5, $0x0  }
0x1f: {  	s9 =	smul.u32 $0xF7A, s1;
	s8 =	simm.s32 @!p0 $0x1BF5;
	p2 =	por !p2, p0  }
0x20: {  	[sflag:s8] =	ssyncset.s32 @!p0 $0xFFFFF086;
	s6 =	sadd.s32 @!p0 s3, s7;
	s7 =	simm.s32 @!p0 $0x108  }
0x21: {  	s3 =	sadd.s32 s3, s9;
	s6 =	sadd.s32 @!p0 $0x88, s6;
	s7 =	simm.s32 @p2 $0x1082  }
0x22: {  	[simem:s7], [sflag:s8] =	dma.local @!p0 [hbm:s6], $0xF7A  }
0x23: {  	s9 =	sor.u32 $0xD0000000, s2;
	s6 =	simm.s32 $0x108;
	_ =	swait.ge @!p0 [sflag:s8], $0x0  }
0x24: {  	s3 =	sadd.s32 $0x88, s3;
	s6 =	simm.s32 @!p1 $0x1082;
	[sflag:s4] =	ssyncset.s32 $0xFFFFF086  }
0x25: {  	[simem:s6], [sflag:s4] =	dma.local [hbm:s3], $0xF7A  }
0x26: {  	[smem:$0x3F9B] =	sst s1;
	(tag) =	ssettag s2;
	_ =	strace s9  }
0x27: {  	s1 =	sld [smem:$0x3FAB]  }
0x28: {  	s2 =	sld [smem:$0x3FAC]  }
0x29: {  	s4 =	sld [smem:$0x3FAE]  }
0x2a: {  	p0 =	seq.s32 s5, $0x0;
	s5 =	sld [smem:$0x3FAF]  }
0x2b: {  	s6 =	sld [smem:$0x3FB0]  }
0x2c: {  	s7 =	sld [smem:$0x3FB1]  }
0x2d: {  	s3 =	simm.s32 $0x108;
	s8 =	sld [smem:$0x3FB2]  }
0x2e: {  	s3 =	simm.s32 @!p0 $0x1082;
	s9 =	sld [smem:$0x3FB3]  }
0x2f: {  	lr =	sadd.s32 s0, s3;
	s0 =	sld [smem:$0x3FAA]  }
0x30: {  	s3 =	sld [smem:$0x3FAD]  }
0x31: {  	[smem:$0x3FB6] =	sst s10  }
0x32: {  	s10 =	sld [smem:$0x3FB4];
	_ =	sdelay $0x3  }
0x33: {  	p0 =	seq.s32 s10, $0x1;
	s10 =	sld [smem:$0x3FB6];
	_ =	sdelay $0x3  }
0x34: {  	[smem:$0x3FB6] =	sst s10  }
0x35: {  	s10 =	sld [smem:$0x3FB5];
	_ =	sdelay $0x3  }
0x36: {  	p1 =	seq.s32 s10, $0x1;
	s10 =	sld [smem:$0x3FB6];
	_ =	sdelay $0x3  }
0x37: {  	[smem:$0x3FB6] =	sst s10  }
0x38: {  	s10 =	sld [smem:$0x3FB7]  }
0x39: {  	_ = 	snop;
	(pc) =	sbr.ind lr, $3  }
0x3a: {  	_ = 	snop  }
0x3b: {  	_ = 	snop  }
0x3c: {  	p2 =	seq.s32 s10, $0x1;
	s10 =	sld [smem:$0x3FB6]  }
0x3d: {  	_ =	shalt  }
0x3e: {  	_ =	shalt  }
0x3f: {  	_ =	shalt  }
0x40: {  	_ =	shalt  }
0x41: {  	_ =	shalt  }
0x42: {  	_ =	shalt  }
0x43: {  	_ =	shalt  }
0x44: {  	_ =	shalt  }
0x45: {  	_ =	shalt  }
0x46: {  	_ =	shalt  }
0x47: {  	_ =	shalt  }
0x48: {  	_ =	shalt  }
0x49: {  	_ =	shalt  }
0x4a: {  	_ =	shalt  }
0x4b: {  	_ =	shalt  }
0x4c: {  	_ =	shalt  }
0x4d: {  	_ =	shalt  }
0x4e: {  	_ =	shalt  }
0x4f: {  	_ =	shalt  }
0x50: {  	_ =	shalt  }
0x51: {  	_ =	shalt  }
0x52: {  	_ =	shalt  }
0x53: {  	_ =	shalt  }
0x54: {  	_ =	shalt  }
0x55: {  	_ =	shalt  }
0x56: {  	_ =	shalt  }
0x57: {  	_ =	shalt  }
0x58: {  	_ =	shalt  }
0x59: {  	_ =	shalt  }
0x5a: {  	_ =	shalt  }
0x5b: {  	_ =	shalt  }
0x5c: {  	_ =	shalt  }
0x5d: {  	_ =	shalt  }
0x5e: {  	_ =	shalt  }
0x5f: {  	_ =	shalt  }
0x60: {  	_ =	shalt  }
0x61: {  	_ =	shalt  }
0x62: {  	_ =	shalt  }
0x63: {  	_ =	shalt  }
0x64: {  	_ =	shalt  }
0x65: {  	_ =	shalt  }
0x66: {  	_ =	shalt  }
0x67: {  	_ =	shalt  }
0x68: {  	_ =	shalt  }
0x69: {  	_ =	shalt  }
0x6a: {  	_ =	shalt  }
0x6b: {  	_ =	shalt  }
0x6c: {  	_ =	shalt  }
0x6d: {  	_ =	shalt  }
0x6e: {  	_ =	shalt  }
0x6f: {  	_ =	shalt  }
0x70: {  	_ =	shalt  }
0x71: {  	_ =	shalt  }
0x72: {  	_ =	shalt  }
0x73: {  	_ =	shalt  }
0x74: {  	_ =	shalt  }
0x75: {  	_ =	shalt  }
0x76: {  	_ =	shalt  }
0x77: {  	_ =	shalt  }
0x78: {  	_ =	shalt  }
0x79: {  	_ =	shalt  }
0x7a: {  	_ =	shalt  }
0x7b: {  	_ =	shalt  }
0x7c: {  	_ =	shalt  }
0x7d: {  	_ =	shalt  }
0x7e: {  	_ =	shalt  }
0x7f: {  	_ =	shalt  }
0x80: {  	_ =	shalt  }
0x81: {  	_ =	shalt  }
0x82: {  	_ =	shalt  }
0x83: {  	_ =	shalt  }
0x84: {  	_ =	shalt  }
0x85: {  	_ =	shalt  }
0x86: {  	_ =	shalt  }
0x87: {  	_ =	shalt  }
.Lfunc_end0:
.L_simem_size_0:
called_computation_lowered:
.L_overlay_start_0:
0x88: {  	s2 =	sld [smem:$0x3FD9]  }
0x89: {  	s3 =	sld [smem:$0x3FFE];
	_ =	sdelay $0x1  }
0x8a: {  	s1 =	srdreg.scid  }
0x8b: {  	s0 =	sand.u32 $0x1, s1  }
0x8c: {  	s17 =	sshll.u32 s0, $0xA;
	s2 =	sadd.s32 s3, s2  }
0x8d: {  	s2 =	sadd.s32 s2, s17  }
0x8e: {  	[smem:$0x3FC2] =	sst s2  }
0x8f: {  	_ = 	snop  }
0x90: {  	s2 =	sld [smem:$0x3FD0];
	(tm) =	ssettm $0x1  }
0x91: {  	s18 =	sld [smem:$0x3FFB];
	_ =	sdelay $0x3  }
0x92: {  	_ =	strace s18  }
0x93: {  	s3 =	sld [smem:$0x3FFC];
	_ =	sdelay $0x3  }
0x94: {  	_ =	strace s3  }
0x95: {  	s3 =	sld [smem:$0x3FFD];
	_ =	sdelay $0x3  }
0x96: {  	_ =	strace s3  }
0x97: {  	_ =	strace $0x8FFFFFFF  }
0x98: {  	s19 =	sld [smem:$0x3FDB];
	_ =	sdelay $0x1  }
0x99: {  	s4 =	simm.s32 $_scs_section_size  }
0x9a: {  	s5 =	simm.s32 $_size__tile_overlayer_lowered;
	s6 =	simm.s32 $_tile_overlayer_lowered  }
0x9b: {  	s22 =	simm.s32 $0x1BFF;
	s21 =	sshll.u32 s6, $0x1;
	s3 =	sadd.s32 s4, s19  }
0x9c: {  	s7 =	simm.s32 $0x0;
	s20 =	sshll.u32 s5, $0x1;
	s5 =	sadd.s32 s21, s3  }
0x9d: {  	[timem:s7], [sflag:s22] =	dma.local [hbm:s5], s20  }
0x9e: {  	_ =	swait.ge [sflag:s22], s20  }
0x9f: {  	s4 =	ssub.s32 $0x0, s20;
	[sflag:s22] =	ssyncset.done $0x0  }
0xa0: {  	[sflag:s22] =	ssyncadd.s32 s4;
	_ =	sdelay $0x1  }
0xa1: {  	s23 =	simm.s32 $0x1B8B  }
0xa2: {  	_ =	swait.ge [sflag:s23], $0x1  }
0xa3: {  	[sflag:s23] =	ssyncset.done $0x0  }
0xa4: {  	s25 =	simm.s32 $0x1B8E;
	s24 =	sld [smem:$0x3FFE];
	[sflag:s23] =	ssyncadd.s32 $0xFFFFFFFF  }
0xa5: {  	s26 =	simm.s32 $execute0_lowered;
	[smem:$0x3FD2] =	sst s25  }
0xa6: {  	s5 =	sshll.u32 s26, $0x1;
	_ =	strace $0x80000046;
	[dreg:$0x1] =	wrdreg $0xFFFFFFFF  }
0xa7: {  	s28 =	simm.s32 $_size_execute0_lowered;
	s3 =	sadd.s32 s3, s5;
	[dreg:$0x0] =	wrdreg $0x0  }
0xa8: {  	s5 =	sshll.u32 s28, $0x1;
	[dreg:$0x2] =	wrdreg s3  }
0xa9: {  	[dreg:$0x3] =	wrdreg s5  }
0xaa: {  	[dreg:$0x4] =	wrdreg $0xC0  }
0xab: {  	_ =	task [dreg:s7], $0x5FFFF  }
0xac: {  	[dreg:$0x1] =	wrdreg $0xFFFFFFFF  }
0xad: {  	[dreg:$0x0] =	wrdreg $0x60  }
0xae: {  	[dreg:$0x2] =	wrdreg s2  }
0xaf: {  	[dreg:$0x3] =	wrdreg s24  }
0xb0: {  	[dreg:$0x4] =	wrdreg $0xA2800  }
0xb1: {  	[dreg:$0x5] =	wrdreg $0x9  }
0xb2: {  	_ =	task.clear_ibuf [dreg:s7], $0x6FFFF;
	_ =	strace $0x90000046  }
0xb3: {  	s29 =	simm.s32 $0x9;
	_ =	strace $0x80000048  }
0xb4: {  	_ =	swait.ge [sflag:s29], $0x1  }
0xb5: {  	[sflag:s29] =	ssyncadd.s32 $0xFFFFFFFF  }
0xb6: {  	_ =	strace $0x90000048  }
0xb7: {  	_ =	sfence  }
0xb8: {  	s30 =	sld [smem:$0x0];
	_ =	sdelay $0x2  }
0xb9: {  	s31 =	sshll.u32 s1, $0xD;
	s1 =	sshrl.u32 s1, $0x2  }
0xba: {  	s3 =	sand.u32 $0x4000, s31;
	s1 =	sadd.s32 s1, s30  }
0xbb: {  	s0 =	sor.u32 s3, s0;
	s1 =	sshll.u32 s1, $0x11  }
0xbc: {  	s0 =	sor.u32 s1, s0  }
0xbd: {  	s0 =	sadd.s32 $0x8F2B, s0  }
0xbe: {  	[sflag:s0] =	ssyncadd.remote.s32 $0x1  }
0xbf: {  	_ =	sfence.sel $0xFFFF  }
0xc0: {  	[dreg:$0x0] =	wrdreg $0xFFFFFFFF;
	(pc) =	sbr.abs _section_cstart, $3  }
0xc1: {  	[dreg:$0x1] =	wrdreg $0xFFFFFFFF  }
0xc2: {  	_ =	task.clear_ibuf [dreg:s7], $0x2FFFF;
	_ =	strace $0x9FFFFFFF  }
0xc3: {  	(tm) =	ssettm $0x7FFFFFFF  }
tec
execute0_lowered:
.L_overlay_start_1:
0x0: {  	(tag) =	ssettag $0x1  }
0x1: {  	s1 =	rddreg [dreg:$0x0]  }
0x2: {  	s0 =	rddreg [dreg:$0x1]  }
0x3: {  	s2 =	rddreg [dreg:$0x2];
	s8 =	stileid.u32  }
0x4: {  	s3 =	srdreg.scid;
	s5 =	simm.s32 $0x0;
	s7 =	smul.u32 $0x13C00, s8  }
0x5: {  	s28 =	simm.s32 $0x7;
	s3 =	sand.u32 $0x1, s3;
	s12 =	smul.u32 $0x4F000, s8  }
0x6: {  	s29 =	simm.s32 $0x28;
	s30 =	simm.s32 $0x2800;
	s6 =	smul.u32 $0x13C000, s3  }
0x7: {  	s31 =	simm.s32 $0x5280;
	s9 =	simm.s32 $0x3;
	s10 =	simm.s32 $0x4  }
0x8: {  	s11 =	simm.s32 $0x2A00;
	s6 =	sadd.s32 s7, s6;
	s7 =	sshrl.u32 s12, $0x2  }
0x9: {  	[smem:$0x7FF] =	sst s5;
	s5 =	sadd.s32 $0xB800, s0;
	s7 =	sadd.s32 s7, s2  }
0xa: {  	s4 =	sshll.u32 s3, $0x4;
	_ =	strace $0x80000047;
	s14 =	sadd.s32 $0x1400, s7  }
0xb: {  	s3 =	ssub.s32 $0x2, s3;
	s15 =	sadd.s32 $0x2800, s7;
	[dreg:$0x5] =	wrdreg s14  }
0xc: {  	s4 =	sor.u32 s8, s4;
	s16 =	sadd.s32 $0x3C00, s7;
	[dreg:$0x6] =	wrdreg s15  }
0xd: {  	s13 =	sshrl.u32 s3, $0x1;
	s17 =	sadd.s32 $0x5000, s7;
	[dreg:$0x7] =	wrdreg s16  }
0xe: {  	s8 =	simm.s32 $0x2980;
	s18 =	sadd.s32 $0x6400, s7;
	[dreg:$0x8] =	wrdreg s17  }
0xf: {  	s4 =	smul.u32 $0x4E2, s4;
	s19 =	sadd.s32 $0x7800, s7;
	[dreg:$0x9] =	wrdreg s18  }
0x10: {  	s3 =	ssub.s32 s3, s13;
	s20 =	sadd.s32 $0x8C00, s7;
	[dreg:$0xa] =	wrdreg s19  }
0x11: {  	s12 =	simm.s32 $0x8E80;
	s21 =	sadd.s32 $0xA000, s7;
	[dreg:$0xb] =	wrdreg s20  }
0x12: {  	s13 =	simm.s32 $0x5;
	s22 =	sadd.s32 $0xB400, s7;
	[dreg:$0xc] =	wrdreg s21  }
0x13: {  	s6 =	sshrl.u32 s6, $0x3;
	s23 =	sadd.s32 $0xC800, s7;
	[dreg:$0xd] =	wrdreg s22  }
0x14: {  	s4 =	sadd.s32 s4, s0;
	s24 =	sadd.s32 $0xDC00, s7;
	[dreg:$0xe] =	wrdreg s23  }
0x15: {  	s0 =	sadd.s32 s6, s0;
	s25 =	sadd.s32 $0xF000, s7;
	[dreg:$0xf] =	wrdreg s24  }
0x16: {  	s26 =	sadd.s32 $0x10400, s7;
	s6 =	simm.s32 $0x2;
	[dreg:$0x10] =	wrdreg s25  }
.Ltmp0:
0x17: {  	s4 =	sadd.s32 $0x1A00, s4;
	[dreg:$0x11] =	wrdreg s26;
	(pc) =	sbr.rel .LBB2_1-.Ltmp0, $4  }
0x18: {  	s21 =	sadd.s32 $0x11800, s7;
	s22 =	sadd.s32 $0x12C00, s7;
	s23 =	sadd.s32 $0x32A00, s0  }
0x19: {  	s24 =	smax.u32 s3, $0x1;
	s25 =	simm.s32 $0x7A80;
	s26 =	simm.s32 $0x8  }
0x1a: {  	s0 =	simm.s32 $0x2900;
	s3 =	simm.s32 $0x1;
	s14 =	simm.s32 $0x6  }
0x1b: {  	v0 =	vimm.f32 $0.0e+00;
	s15 =	simm.s32 $0x0;
	[dreg:$0x4] =	wrdreg s4;
	s4 =	simm.s32 $0x6680  }
.LBB2_10:
0x1c: {  	_ =	swait.ge [sflag:s13], $0x1400  }
0x1d: {  	[sflag:s13] =	ssyncset.done $0x0  }
0x1e: {  	[sflag:s13] =	ssyncadd.s32 $0xFFFFEC00  }
0x1f: {  	s16 =	stileid.u32;
	_ =	swait.ge [sflag:s14], $0x1400  }
0x20: {  	s17 =	sshrl.u32 s7, $0x3;
	s15 =	sadd.s32 $0x1, s15;
	[sflag:s14] =	ssyncset.done $0x0  }
0x21: {  	s16 =	sshll.u32 s16, $0x6;
	p0 =	sne.s32 s15, s24;
	[sflag:s14] =	ssyncadd.s32 $0xFFFFEC00  }
.Ltmp1:
0x22: {  	s16 =	sor.u32 $0x1C08, s16;
	[bflag:$0x0] =	sbarrier.arrive $0xFFFF;
	(pc) =	sbr.rel @!p0 .LBB2_11-.Ltmp1, $4  }
0x23: {  	[hbm:s23], [sflag:s16] =	dma.local [spmem:s17], $0x2780  }
0x24: {  	_ =	swait.ge [sflag:s26], $0x2780  }
0x25: {  	[sflag:s26] =	ssyncset.done $0x0  }
0x26: {  	[sflag:s26] =	ssyncadd.s32 $0xFFFFD880  }
.LBB2_1:
0x27: {  	s16 =	simm.s32 $0x0;
	s17 =	rddreg [dreg:$0x4]  }
0x28: {  	[tilespmem:s16], [sflag:$0x7] =	stream.linear.gather [hbm4b:s17+s16], $0x2710, $0x38;
	[tilespmem:$0x1DE80] =	vst v63  }
0x29: {  	s16 =	simm.s32 $0x0;
	s17 =	simm.s32 $0x200  }
.LBB2_2:
0x2a: {  	p0 =	sne.s32 s17, $0x4E00;
	[tilespmem:s16+$0x7AF0] =	vst v0  }
0x2b: {  	[tilespmem:s16+$0x7A80] =	vst v0  }
0x2c: {  	[tilespmem:s16+$0x7A90] =	vst v0  }
.Ltmp2:
0x2d: {  	[tilespmem:s16+$0x7AA0] =	vst v0;
	(pc) =	sbr.rel @p0 .LBB2_2-.Ltmp2, $4  }
0x2e: {  	[tilespmem:s16+$0x7AB0] =	vst v0  }
0x2f: {  	[tilespmem:s16+$0x7AC0] =	vst v0  }
0x30: {  	[tilespmem:s16+$0x7AD0] =	vst v0  }
0x31: {  	[tilespmem:s16+$0x7AE0] =	vst v0;
	s16 =	sshra.s32 s17, $0x2;
	s17 =	sadd.s32 $0x200, s17  }
0x32: {  	[tilespmem:s16+$0x7AF0] =	vst v0  }
0x33: {  	[tilespmem:s16+$0x7A80] =	vst v0  }
0x34: {  	[tilespmem:s16+$0x7A90] =	vst v0  }
0x35: {  	[tilespmem:s16+$0x7AA0] =	vst v0  }
0x36: {  	[tilespmem:s16+$0x7AB0] =	vst v0  }
0x37: {  	[tilespmem:s16+$0x7AC0] =	vst v0  }
0x38: {  	[tilespmem:s16+$0x7AD0] =	vst v0  }
0x39: {  	[tilespmem:s16+$0x7AE0] =	vst v0  }
0x3a: {  	[spmem:s7] =	stream.linear.scatter [tilespmem:s25], [sflag:$0x8], $0x1400, $0x38;
	[tilespmem:$0x1DE80] =	vst v63  }
0x3b: {  	_ =	swait.ge [sflag:s26], $0x1400  }
0x3c: {  	[sflag:s26] =	ssyncset.done $0x0  }
0x3d: {  	s17 =	rddreg [dreg:$0x5];
	[sflag:s26] =	ssyncadd.s32 $0xFFFFEC00  }
0x3e: {  	[spmem:s17] =	stream.linear.scatter [tilespmem:s25], [sflag:$0x8], $0x1400, $0x38;
	[tilespmem:$0x1DE80] =	vst v63  }
0x3f: {  	_ =	swait.ge [sflag:s26], $0x1400  }
0x40: {  	[sflag:s26] =	ssyncset.done $0x0  }
0x41: {  	s18 =	rddreg [dreg:$0x6];
	[sflag:s26] =	ssyncadd.s32 $0xFFFFEC00  }
0x42: {  	[spmem:s18] =	stream.linear.scatter [tilespmem:s25], [sflag:$0x8], $0x1400, $0x38;
	[tilespmem:$0x1DE80] =	vst v63  }
0x43: {  	_ =	swait.ge [sflag:s26], $0x1400  }
0x44: {  	[sflag:s26] =	ssyncset.done $0x0  }
0x45: {  	s19 =	rddreg [dreg:$0x7];
	[sflag:s26] =	ssyncadd.s32 $0xFFFFEC00  }
0x46: {  	[spmem:s19] =	stream.linear.scatter [tilespmem:s25], [sflag:$0x8], $0x1400, $0x38;
	[tilespmem:$0x1DE80] =	vst v63  }
0x47: {  	_ =	swait.ge [sflag:s26], $0x1400  }
0x48: {  	[sflag:s26] =	ssyncset.done $0x0  }
0x49: {  	s20 =	rddreg [dreg:$0x8];
	[sflag:s26] =	ssyncadd.s32 $0xFFFFEC00  }
0x4a: {  	[spmem:s20] =	stream.linear.scatter [tilespmem:s25], [sflag:$0x8], $0x1400, $0x38;
	[tilespmem:$0x1DE80] =	vst v63  }
0x4b: {  	_ =	swait.ge [sflag:s26], $0x1400  }
0x4c: {  	[sflag:s26] =	ssyncset.done $0x0  }
0x4d: {  	s17 =	rddreg [dreg:$0x9];
	[sflag:s26] =	ssyncadd.s32 $0xFFFFEC00  }
0x4e: {  	[spmem:s17] =	stream.linear.scatter [tilespmem:s25], [sflag:$0x8], $0x1400, $0x38;
	[tilespmem:$0x1DE80] =	vst v63  }
0x4f: {  	_ =	swait.ge [sflag:s26], $0x1400  }
0x50: {  	[sflag:s26] =	ssyncset.done $0x0  }
0x51: {  	s18 =	rddreg [dreg:$0xa];
	[sflag:s26] =	ssyncadd.s32 $0xFFFFEC00  }
0x52: {  	[spmem:s18] =	stream.linear.scatter [tilespmem:s25], [sflag:$0x8], $0x1400, $0x38;
	[tilespmem:$0x1DE80] =	vst v63  }
0x53: {  	_ =	swait.ge [sflag:s26], $0x1400  }
0x54: {  	[sflag:s26] =	ssyncset.done $0x0  }
0x55: {  	s19 =	rddreg [dreg:$0xb];
	[sflag:s26] =	ssyncadd.s32 $0xFFFFEC00  }
0x56: {  	[spmem:s19] =	stream.linear.scatter [tilespmem:s25], [sflag:$0x8], $0x1400, $0x38;
	[tilespmem:$0x1DE80] =	vst v63  }
0x57: {  	_ =	swait.ge [sflag:s26], $0x1400  }
0x58: {  	[sflag:s26] =	ssyncset.done $0x0  }
0x59: {  	s20 =	rddreg [dreg:$0xc];
	[sflag:s26] =	ssyncadd.s32 $0xFFFFEC00  }
0x5a: {  	[spmem:s20] =	stream.linear.scatter [tilespmem:s25], [sflag:$0x8], $0x1400, $0x38;
	[tilespmem:$0x1DE80] =	vst v63  }
0x5b: {  	_ =	swait.ge [sflag:s26], $0x1400  }
0x5c: {  	[sflag:s26] =	ssyncset.done $0x0  }
0x5d: {  	s17 =	rddreg [dreg:$0xd];
	[sflag:s26] =	ssyncadd.s32 $0xFFFFEC00  }
0x5e: {  	[spmem:s17] =	stream.linear.scatter [tilespmem:s25], [sflag:$0x8], $0x1400, $0x38;
	[tilespmem:$0x1DE80] =	vst v63  }
0x5f: {  	_ =	swait.ge [sflag:s26], $0x1400  }
0x60: {  	[sflag:s26] =	ssyncset.done $0x0  }
0x61: {  	s18 =	rddreg [dreg:$0xe];
	[sflag:s26] =	ssyncadd.s32 $0xFFFFEC00  }
0x62: {  	[spmem:s18] =	stream.linear.scatter [tilespmem:s25], [sflag:$0x8], $0x1400, $0x38;
	[tilespmem:$0x1DE80] =	vst v63  }
0x63: {  	_ =	swait.ge [sflag:s26], $0x1400  }
0x64: {  	[sflag:s26] =	ssyncset.done $0x0  }
0x65: {  	s19 =	rddreg [dreg:$0xf];
	[sflag:s26] =	ssyncadd.s32 $0xFFFFEC00  }
0x66: {  	[spmem:s19] =	stream.linear.scatter [tilespmem:s25], [sflag:$0x8], $0x1400, $0x38;
	[tilespmem:$0x1DE80] =	vst v63  }
0x67: {  	_ =	swait.ge [sflag:s26], $0x1400  }
0x68: {  	[sflag:s26] =	ssyncset.done $0x0  }
0x69: {  	s20 =	rddreg [dreg:$0x10];
	[sflag:s26] =	ssyncadd.s32 $0xFFFFEC00  }
0x6a: {  	[spmem:s20] =	stream.linear.scatter [tilespmem:s25], [sflag:$0x8], $0x1400, $0x38;
	[tilespmem:$0x1DE80] =	vst v63  }
0x6b: {  	_ =	swait.ge [sflag:s26], $0x1400  }
0x6c: {  	[sflag:s26] =	ssyncset.done $0x0  }
0x6d: {  	s17 =	rddreg [dreg:$0x11];
	[sflag:s26] =	ssyncadd.s32 $0xFFFFEC00  }
0x6e: {  	[spmem:s17] =	stream.linear.scatter [tilespmem:s25], [sflag:$0x8], $0x1400, $0x38;
	[tilespmem:$0x1DE80] =	vst v63  }
0x6f: {  	_ =	swait.ge [sflag:s26], $0x1400  }
0x70: {  	[sflag:s26] =	ssyncset.done $0x0  }
0x71: {  	[sflag:s26] =	ssyncadd.s32 $0xFFFFEC00  }
0x72: {  	[spmem:s21] =	stream.linear.scatter [tilespmem:s25], [sflag:$0x8], $0x1400, $0x38;
	[tilespmem:$0x1DE80] =	vst v63  }
0x73: {  	_ =	swait.ge [sflag:s26], $0x1400  }
0x74: {  	[sflag:s26] =	ssyncset.done $0x0  }
0x75: {  	[sflag:s26] =	ssyncadd.s32 $0xFFFFEC00  }
0x76: {  	[spmem:s22] =	stream.linear.scatter [tilespmem:s25], [sflag:$0x8], $0x1000, $0x38;
	[tilespmem:$0x1DE80] =	vst v63  }
0x77: {  	_ =	swait.ge [sflag:s26], $0x1000  }
0x78: {  	[sflag:s26] =	ssyncset.done $0x0  }
0x79: {  	[sflag:s26] =	ssyncadd.s32 $0xFFFFF000  }
0x7a: {  	_ =	swait.ge [sflag:s28], $0x2710  }
0x7b: {  	[sflag:s28] =	ssyncset.done $0x0  }
0x7c: {  	[sflag:s28] =	ssyncadd.s32 $0xFFFFD8F0  }
0x7d: {  	[bflag:$0x0] =	sbarrier.arrive $0xFFFF  }
0x7e: {  	v1 =	vld [tilespmem:$0x0];
	_ =	sdelay $0x1  }
0x7f: {  	v2 =	vld [tilespmem:$0x10];
	_ =	sdelay $0x1  }
0x80: {  	v3 =	vld [tilespmem:$0x18]  }
0x81: {  	v4 =	vand.u32 $0x3FFF, v1  }
0x82: {  	v63 =	vld [tilespmem:$0x28];
	v1 =	vshrl.u32 v1, $0xE;
	[tilespmem:$0x2780] =	vst v4  }
0x83: {  	[tilespmem:$0x2880] =	vst v1;
	v1 =	vand.u32 $0x3FFF, v2  }
0x84: {  	[tilespmem:$0x2790] =	vst v1;
	v1 =	vshrl.u32 v2, $0xE;
	v2 =	vld [tilespmem:$0x38]  }
0x85: {  	[tilespmem:$0x2890] =	vst v1;
	v1 =	vand.u32 $0x3FFF, v3  }
0x86: {  	[tilespmem:$0x2798] =	vst v1;
	v1 =	vshrl.u32 v3, $0xE;
	v3 =	vld [tilespmem:$0x40]  }
0x87: {  	[tilespmem:$0x2898] =	vst v1;
	v1 =	vand.u32 $0x3FFF, v63  }
0x88: {  	[tilespmem:$0x2800] =	vst v1;
	v1 =	vshrl.u32 v63, $0xE  }
0x89: {  	[tilespmem:$0x2900] =	vst v1;
	v1 =	vand.u32 $0x3FFF, v2  }
0x8a: {  	[tilespmem:$0x2810] =	vst v1;
	v1 =	vshrl.u32 v2, $0xE  }
0x8b: {  	[tilespmem:$0x2910] =	vst v1;
	v1 =	vand.u32 $0x3FFF, v3  }
0x8c: {  	[tilespmem:$0x2818] =	vst v1;
	v1 =	vshrl.u32 v3, $0xE  }
0x8d: {  	s18 =	simm.s32 $0x2780;
	s17 =	simm.s32 $0x2A80;
	[tilespmem:$0x2918] =	vst v1  }
0x8e: {  	[tilespmem:s17], [sflag:$0x1] =	stream.indirect.gather [hbm4b:s1+s29], $0x80, s18, s29, $0xb8;
	[tilespmem:$0x1DE80] =	vst v63  }
0x8f: {  	s19 =	simm.s32 $0x2880;
	s20 =	simm.s32 $0x3E80  }
0x90: {  	[tilespmem:s20], [sflag:$0x2] =	stream.indirect.gather [hbm4b:s5+s29], $0x80, s19, s29, $0xb8;
	[tilespmem:$0x1DE80] =	vst v63  }
0x91: {  	_ = 	snop  }
0x92: {  	[tilespmem:s31], [sflag:$0x3] =	stream.indirect.gather [hbm4b:s1+s29], $0x80, s30, s29, $0xb8;
	[tilespmem:$0x1DE80] =	vst v63  }
0x93: {  	s16 =	simm.s32 $0x0  }
0x94: {  	[tilespmem:s4], [sflag:$0x4] =	stream.indirect.gather [hbm4b:s5+s29], $0x80, s0, s29, $0xb8;
	[tilespmem:$0x1DE80] =	vst v63  }
.LBB2_4:
0x95: {  	_ =	swait.ge [sflag:s3], $0x1400  }
0x96: {  	[sflag:s3] =	ssyncset.done $0x0  }
0x97: {  	[sflag:s3] =	ssyncadd.s32 $0xFFFFEC00  }
0x98: {  	_ =	swait.ge [sflag:s6], $0x1400  }
0x99: {  	p0 =	seq.s32 s16, $0x0;
	[sflag:s6] =	ssyncset.done $0x0  }
0x9a: {  	s17 =	simm.s32 @!p0 $0x5;
	[sflag:s6] =	ssyncadd.s32 $0xFFFFEC00  }
0x9b: {  	s18 =	smul.u32 $0x140, s16;
	_ =	swait.ge @!p0 [sflag:s17], $0x1400  }
0x9c: {  	[sflag:s17] =	ssyncset.done @!p0 $0x0  }
0x9d: {  	[sflag:s17] =	ssyncadd.s32 @!p0 $0xFFFFEC00;
	s17 =	sshra.s32 s18, $0x2  }
0x9e: {  	v1 =	vld [tilespmem:s17+$0x0];
	_ =	sdelay $0x4  }
0x9f: {  	v1 =	vshrl.u32 v1, $0xE  }
0xa0: {  	[tilespmem:$0x2980] =	vst v1  }
0xa1: {  	v1 =	vld [tilespmem:s17+$0x10];
	_ =	sdelay $0x4  }
0xa2: {  	v1 =	vshrl.u32 v1, $0xE  }
0xa3: {  	[tilespmem:$0x2990] =	vst v1  }
0xa4: {  	v1 =	vld [tilespmem:s17+$0x18];
	_ =	sdelay $0x4  }
0xa5: {  	v1 =	vshrl.u32 v1, $0xE  }
0xa6: {  	s18 =	simm.s32 $0xF0;
	[tilespmem:$0x2998] =	vst v1  }
0xa7: {  	v1 =	vld [tilespmem:s18+$0x2A80]  }
0xa8: {  	v2 =	vld [tilespmem:s18+$0x3E80]  }
0xa9: {  	v3 =	vld [tilespmem:s18+$0x2990]  }
0xaa: {  	v4 =	vld [tilespmem:s18+$0x3D90]  }
0xab: {  	v5 =	vld [tilespmem:s18+$0x29A0]  }
0xac: {  	v6 =	vld [tilespmem:s18+$0x3DA0]  }
0xad: {  	v7 =	vld [tilespmem:s18+$0x29B0]  }
0xae: {  	v1 =	vadd.f32 v2, v1;
	v2 =	vld [tilespmem:s18+$0x3DB0]  }
0xaf: {  	v8 =	vld [tilespmem:s18+$0x29C0]  }
0xb0: {  	v3 =	vadd.f32 v4, v3;
	v4 =	vld [tilespmem:s18+$0x3DC0]  }
0xb1: {  	v5 =	vadd.f32 v6, v5;
	v6 =	vld [tilespmem:s18+$0x29E0];
	v1 =	vmax.f32 v1, $0.0e+00  }
0xb2: {  	[tilespmem:s18+$0x7A80] =	vst v1;
	v1 =	vmax.f32 v3, $0.0e+00;
	v3 =	vld [tilespmem:s18+$0x29D0]  }
0xb3: {  	v5 =	vmax.f32 v5, $0.0e+00;
	[tilespmem:s18+$0x7990] =	vst v1;
	v1 =	vld [tilespmem:s18+$0x3DD0];
	v2 =	vadd.f32 v2, v7  }
0xb4: {  	[tilespmem:s18+$0x79A0] =	vst v5;
	v5 =	vld [tilespmem:s18+$0x3DE0]  }
0xb5: {  	v7 =	vld [tilespmem:s18+$0x29F0];
	v2 =	vmax.f32 v2, $0.0e+00  }
0xb6: {  	v4 =	vadd.f32 v4, v8;
	[tilespmem:s18+$0x79B0] =	vst v2;
	v2 =	vld [tilespmem:s18+$0x3DF0]  }
0xb7: {  	v8 =	vld [tilespmem:s18+$0x2A00]  }
0xb8: {  	v4 =	vmax.f32 v4, $0.0e+00;
	v1 =	vadd.f32 v1, v3;
	v3 =	vld [tilespmem:s18+$0x3E00]  }
0xb9: {  	[tilespmem:s18+$0x79C0] =	vst v4;
	v4 =	vld [tilespmem:s18+$0x2A10];
	v5 =	vadd.f32 v5, v6  }
0xba: {  	v6 =	vld [tilespmem:s18+$0x2A20];
	v1 =	vmax.f32 v1, $0.0e+00  }
0xbb: {  	v5 =	vmax.f32 v5, $0.0e+00;
	[tilespmem:s18+$0x79D0] =	vst v1;
	v1 =	vld [tilespmem:s18+$0x3E10];
	v2 =	vadd.f32 v2, v7  }
0xbc: {  	[tilespmem:s18+$0x79E0] =	vst v5;
	v5 =	vld [tilespmem:s18+$0x3E20]  }
0xbd: {  	v7 =	vld [tilespmem:s18+$0x2A30];
	v3 =	vadd.f32 v3, v8;
	v2 =	vmax.f32 v2, $0.0e+00  }
0xbe: {  	[tilespmem:s18+$0x79F0] =	vst v2;
	v2 =	vld [tilespmem:s18+$0x3E30]  }
0xbf: {  	v8 =	vld [tilespmem:s18+$0x2A40];
	v3 =	vmax.f32 v3, $0.0e+00  }
0xc0: {  	v1 =	vadd.f32 v1, v4;
	[tilespmem:s18+$0x7A00] =	vst v3;
	v3 =	vld [tilespmem:s18+$0x3E40]  }
0xc1: {  	v9 =	vld [tilespmem:s18+$0x2A50];
	v4 =	vadd.f32 v5, v6  }
0xc2: {  	v6 =	vld [tilespmem:s18+$0x3E50];
	v1 =	vmax.f32 v1, $0.0e+00  }
0xc3: {  	v4 =	vmax.f32 v4, $0.0e+00;
	[tilespmem:s18+$0x7A10] =	vst v1;
	v1 =	vld [tilespmem:s18+$0x2A60];
	v2 =	vadd.f32 v2, v7  }
0xc4: {  	[tilespmem:s18+$0x7A20] =	vst v4;
	v4 =	vld [tilespmem:s18+$0x3E60]  }
0xc5: {  	v7 =	vadd.f32 v3, v8;
	v5 =	vmax.f32 v2, $0.0e+00;
	v2 =	vld [tilespmem:s18+$0x2A70]  }
0xc6: {  	s19 =	simm.s32 $0x1F0;
	[tilespmem:s18+$0x7A30] =	vst v5;
	v5 =	vld [tilespmem:s18+$0x3E70]  }
0xc7: {  	s20 =	simm.s32 $0xBC0;
	v6 =	vadd.f32 v6, v9;
	v7 =	vmax.f32 v7, $0.0e+00;
	v3 =	vld [tilespmem:s19+$0x2A80]  }
.LBB2_5:
0xc8: {  	p1 =	sne.s32 s20, $0x4FC0;
	v8 =	vld [tilespmem:s19+$0x3E80];
	[tilespmem:s18+$0x7A40] =	vst v7  }
0xc9: {  	v7 =	vld [tilespmem:s19+$0x2990];
	v6 =	vmax.f32 v6, $0.0e+00;
	v1 =	vadd.f32 v4, v1  }
0xca: {  	v4 =	vld [tilespmem:s19+$0x3D90];
	[tilespmem:s18+$0x7A50] =	vst v6  }
0xcb: {  	v6 =	vld [tilespmem:s19+$0x29A0];
	v1 =	vmax.f32 v1, $0.0e+00;
	v2 =	vadd.f32 v5, v2  }
0xcc: {  	v5 =	vld [tilespmem:s19+$0x3DA0];
	[tilespmem:s18+$0x7A60] =	vst v1  }
0xcd: {  	v1 =	vld [tilespmem:s19+$0x29B0];
	v3 =	vadd.f32 v8, v3;
	v2 =	vmax.f32 v2, $0.0e+00  }
0xce: {  	v8 =	vld [tilespmem:s19+$0x3DB0];
	[tilespmem:s18+$0x7A70] =	vst v2;
	s18 =	smov.u32 s19  }
0xcf: {  	v2 =	vadd.f32 v4, v7;
	v4 =	vld [tilespmem:s18+$0x29C0];
	v3 =	vmax.f32 v3, $0.0e+00  }
0xd0: {  	v7 =	vld [tilespmem:s18+$0x3DC0];
	[tilespmem:s18+$0x7A80] =	vst v3  }
0xd1: {  	v2 =	vmax.f32 v2, $0.0e+00;
	v3 =	vadd.f32 v5, v6;
	v5 =	vld [tilespmem:s18+$0x29D0]  }
0xd2: {  	[tilespmem:s18+$0x7990] =	vst v2;
	v2 =	vld [tilespmem:s18+$0x3DD0]  }
0xd3: {  	v3 =	vmax.f32 v3, $0.0e+00;
	v1 =	vadd.f32 v8, v1;
	v6 =	vld [tilespmem:s18+$0x29E0]  }
0xd4: {  	[tilespmem:s18+$0x79A0] =	vst v3;
	v3 =	vld [tilespmem:s18+$0x3DE0]  }
0xd5: {  	v1 =	vmax.f32 v1, $0.0e+00;
	v4 =	vadd.f32 v7, v4;
	v7 =	vld [tilespmem:s18+$0x29F0]  }
0xd6: {  	[tilespmem:s18+$0x79B0] =	vst v1;
	v1 =	vld [tilespmem:s18+$0x3DF0]  }
0xd7: {  	v4 =	vmax.f32 v4, $0.0e+00;
	v2 =	vadd.f32 v2, v5;
	v5 =	vld [tilespmem:s18+$0x2A00]  }
0xd8: {  	[tilespmem:s18+$0x79C0] =	vst v4;
	v4 =	vld [tilespmem:s18+$0x3E00]  }
0xd9: {  	v2 =	vmax.f32 v2, $0.0e+00;
	v3 =	vadd.f32 v3, v6;
	v6 =	vld [tilespmem:s18+$0x2A10]  }
0xda: {  	[tilespmem:s18+$0x79D0] =	vst v2;
	v2 =	vld [tilespmem:s18+$0x3E10]  }
0xdb: {  	v3 =	vmax.f32 v3, $0.0e+00;
	v1 =	vadd.f32 v1, v7;
	v7 =	vld [tilespmem:s18+$0x2A20]  }
0xdc: {  	[tilespmem:s18+$0x79E0] =	vst v3;
	v3 =	vld [tilespmem:s18+$0x3E20]  }
0xdd: {  	v1 =	vmax.f32 v1, $0.0e+00;
	v4 =	vadd.f32 v4, v5;
	v5 =	vld [tilespmem:s18+$0x2A30]  }
0xde: {  	[tilespmem:s18+$0x79F0] =	vst v1;
	v1 =	vld [tilespmem:s18+$0x3E30]  }
0xdf: {  	v4 =	vmax.f32 v4, $0.0e+00;
	v2 =	vadd.f32 v2, v6;
	v6 =	vld [tilespmem:s18+$0x2A40]  }
0xe0: {  	[tilespmem:s18+$0x7A00] =	vst v4;
	v8 =	vld [tilespmem:s18+$0x3E40]  }
0xe1: {  	v2 =	vmax.f32 v2, $0.0e+00;
	v3 =	vadd.f32 v3, v7;
	v9 =	vld [tilespmem:s18+$0x2A50]  }
0xe2: {  	[tilespmem:s18+$0x7A10] =	vst v2;
	v10 =	vld [tilespmem:s18+$0x3E50]  }
.Ltmp3:
0xe3: {  	v2 =	vmax.f32 v3, $0.0e+00;
	v3 =	vadd.f32 v1, v5;
	v1 =	vld [tilespmem:s18+$0x2A60];
	(pc) =	sbr.rel @p1 .LBB2_5-.Ltmp3, $4  }
0xe4: {  	[tilespmem:s18+$0x7A20] =	vst v2;
	v4 =	vld [tilespmem:s18+$0x3E60]  }
0xe5: {  	v3 =	vmax.f32 v3, $0.0e+00;
	v6 =	vadd.f32 v8, v6;
	v2 =	vld [tilespmem:s18+$0x2A70]  }
0xe6: {  	s19 =	sshra.s32 s20, $0x2;
	[tilespmem:s18+$0x7A30] =	vst v3;
	v5 =	vld [tilespmem:s18+$0x3E70]  }
0xe7: {  	s20 =	sadd.s32 $0x400, s20;
	v3 =	vld [tilespmem:s19+$0x2A80];
	v7 =	vmax.f32 v6, $0.0e+00;
	v6 =	vadd.f32 v10, v9  }
0xe8: {  	v8 =	vld [tilespmem:s19+$0x3E80];
	[tilespmem:s18+$0x7A40] =	vst v7  }
0xe9: {  	v7 =	vld [tilespmem:s19+$0x2990];
	v6 =	vmax.f32 v6, $0.0e+00;
	v1 =	vadd.f32 v4, v1  }
0xea: {  	v9 =	vld [tilespmem:s19+$0x3D90];
	[tilespmem:s18+$0x7A50] =	vst v6  }
0xeb: {  	v4 =	vld [tilespmem:s19+$0x29A0];
	v1 =	vmax.f32 v1, $0.0e+00;
	v2 =	vadd.f32 v5, v2  }
0xec: {  	v6 =	vld [tilespmem:s19+$0x3DA0];
	[tilespmem:s18+$0x7A60] =	vst v1  }
0xed: {  	v1 =	vld [tilespmem:s19+$0x29B0];
	v2 =	vmax.f32 v2, $0.0e+00  }
0xee: {  	v5 =	vld [tilespmem:s19+$0x3DB0];
	v3 =	vadd.f32 v8, v3;
	[tilespmem:s18+$0x7A70] =	vst v2  }
0xef: {  	v7 =	vadd.f32 v9, v7;
	v2 =	vld [tilespmem:s19+$0x29C0]  }
0xf0: {  	v3 =	vmax.f32 v3, $0.0e+00;
	v8 =	vld [tilespmem:s19+$0x3DC0]  }
0xf1: {  	[tilespmem:s19+$0x7A80] =	vst v3;
	v3 =	vmax.f32 v7, $0.0e+00;
	v7 =	vld [tilespmem:s19+$0x29D0]  }
0xf2: {  	v4 =	vadd.f32 v6, v4;
	v6 =	vld [tilespmem:s19+$0x29E0]  }
0xf3: {  	[tilespmem:s19+$0x7990] =	vst v3;
	v3 =	vld [tilespmem:s19+$0x3DD0];
	v1 =	vadd.f32 v5, v1  }
0xf4: {  	v4 =	vmax.f32 v4, $0.0e+00;
	v5 =	vld [tilespmem:s19+$0x29F0]  }
0xf5: {  	[tilespmem:s19+$0x79A0] =	vst v4;
	v4 =	vld [tilespmem:s19+$0x3DE0];
	v1 =	vmax.f32 v1, $0.0e+00  }
0xf6: {  	v2 =	vadd.f32 v8, v2;
	[tilespmem:s19+$0x79B0] =	vst v1;
	v1 =	vld [tilespmem:s19+$0x3DF0]  }
0xf7: {  	v8 =	vld [tilespmem:s19+$0x2A00]  }
0xf8: {  	v2 =	vmax.f32 v2, $0.0e+00;
	v3 =	vadd.f32 v3, v7;
	v7 =	vld [tilespmem:s19+$0x2A10]  }
0xf9: {  	[tilespmem:s19+$0x79C0] =	vst v2;
	v2 =	vld [tilespmem:s19+$0x3E00]  }
0xfa: {  	v3 =	vmax.f32 v3, $0.0e+00;
	v4 =	vadd.f32 v4, v6;
	v6 =	vld [tilespmem:s19+$0x2A20]  }
0xfb: {  	[tilespmem:s19+$0x79D0] =	vst v3;
	v3 =	vld [tilespmem:s19+$0x3E10];
	v1 =	vadd.f32 v1, v5  }
0xfc: {  	v4 =	vmax.f32 v4, $0.0e+00;
	v5 =	vld [tilespmem:s19+$0x2A30]  }
0xfd: {  	[tilespmem:s19+$0x79E0] =	vst v4;
	v4 =	vld [tilespmem:s19+$0x3E20];
	v1 =	vmax.f32 v1, $0.0e+00  }
0xfe: {  	v2 =	vadd.f32 v2, v8;
	[tilespmem:s19+$0x79F0] =	vst v1;
	v1 =	vld [tilespmem:s19+$0x3E30]  }
0xff: {  	v8 =	vld [tilespmem:s19+$0x2A40]  }
0x100: {  	v2 =	vmax.f32 v2, $0.0e+00;
	v3 =	vadd.f32 v3, v7;
	v7 =	vld [tilespmem:s19+$0x2A50]  }
0x101: {  	[tilespmem:s19+$0x7A00] =	vst v2;
	v2 =	vld [tilespmem:s19+$0x3E40]  }
0x102: {  	v3 =	vmax.f32 v3, $0.0e+00;
	v4 =	vadd.f32 v4, v6;
	v6 =	vld [tilespmem:s19+$0x2A60]  }
0x103: {  	[tilespmem:s19+$0x7A10] =	vst v3;
	v3 =	vld [tilespmem:s19+$0x3E50];
	v1 =	vadd.f32 v1, v5  }
0x104: {  	v4 =	vmax.f32 v4, $0.0e+00;
	v5 =	vld [tilespmem:s19+$0x2A70]  }
0x105: {  	[tilespmem:s19+$0x7A20] =	vst v4;
	v4 =	vld [tilespmem:s19+$0x3E60];
	v1 =	vmax.f32 v1, $0.0e+00  }
0x106: {  	[tilespmem:s19+$0x7A30] =	vst v1;
	v1 =	vld [tilespmem:s19+$0x3E70];
	_ =	sdelay $0x1  }
0x107: {  	v2 =	vadd.f32 v2, v8  }
0x108: {  	v3 =	vadd.f32 v3, v7  }
0x109: {  	v2 =	vmax.f32 v2, $0.0e+00;
	v4 =	vadd.f32 v4, v6  }
0x10a: {  	[tilespmem:s19+$0x7A40] =	vst v2;
	v2 =	vmax.f32 v3, $0.0e+00;
	v1 =	vadd.f32 v1, v5  }
0x10b: {  	[tilespmem:s19+$0x7A50] =	vst v2;
	v2 =	vmax.f32 v4, $0.0e+00  }
0x10c: {  	[tilespmem:s19+$0x7A60] =	vst v2;
	v1 =	vmax.f32 v1, $0.0e+00  }
0x10d: {  	p1 =	seq.s32 s16, $0x7C;
	[tilespmem:s19+$0x7A70] =	vst v1  }
0x10e: {  	[spmem:s2] =	stream.indirect.scatter.add.f32 [tilespmem:s25], [sflag:$0x5], $0x80, s8, s29, $0xb8;
	[tilespmem:$0x1DE80] =	vst v63  }
0x10f: {  	v1 =	vld @!p1 [tilespmem:s17+$0x50];
	_ =	sdelay $0x4  }
0x110: {  	v2 =	vand.u32 @!p1 $0x3FFF, v1  }
0x111: {  	v1 =	vshrl.u32 @!p1 v1, $0xE;
	[tilespmem:$0x2780] =	vst @!p1 v2  }
0x112: {  	[tilespmem:$0x2880] =	vst @!p1 v1  }
0x113: {  	v1 =	vld @!p1 [tilespmem:s17+$0x60];
	_ =	sdelay $0x4  }
0x114: {  	v2 =	vand.u32 @!p1 $0x3FFF, v1  }
0x115: {  	v1 =	vshrl.u32 @!p1 v1, $0xE;
	[tilespmem:$0x2790] =	vst @!p1 v2  }
0x116: {  	[tilespmem:$0x2890] =	vst @!p1 v1  }
0x117: {  	v1 =	vld @!p1 [tilespmem:s17+$0x68];
	_ =	sdelay $0x4  }
0x118: {  	v2 =	vand.u32 @!p1 $0x3FFF, v1  }
0x119: {  	v1 =	vshrl.u32 @!p1 v1, $0xE;
	[tilespmem:$0x2798] =	vst @!p1 v2  }
0x11a: {  	s20 =	simm.s32 @!p1 $0x2A80;
	s18 =	simm.s32 @!p1 $0x28;
	s19 =	simm.s32 @!p1 $0x2780;
	[tilespmem:$0x2898] =	vst @!p1 v1  }
0x11b: {  	[tilespmem:s20], [sflag:$0x1] =	stream.indirect.gather @!p1 [hbm4b:s1+s18], $0x80, s19, s18, $0xb8;
	[tilespmem:$0x1DE80] =	vst v63  }
0x11c: {  	s19 =	simm.s32 @!p1 $0x2880;
	s20 =	simm.s32 @!p1 $0x3E80  }
0x11d: {  	[tilespmem:s20], [sflag:$0x2] =	stream.indirect.gather @!p1 [hbm4b:s5+s18], $0x80, s19, s18, $0xb8;
	[tilespmem:$0x1DE80] =	vst v63  }
0x11e: {  	_ =	swait.ge [sflag:s9], $0x1400  }
0x11f: {  	[sflag:s9] =	ssyncset.done $0x0  }
0x120: {  	[sflag:s9] =	ssyncadd.s32 $0xFFFFEC00  }
0x121: {  	_ =	swait.ge [sflag:s10], $0x1400  }
0x122: {  	[sflag:s10] =	ssyncset.done $0x0  }
0x123: {  	s18 =	simm.s32 @!p0 $0x6;
	[sflag:s10] =	ssyncadd.s32 $0xFFFFEC00  }
0x124: {  	_ =	swait.ge @!p0 [sflag:s18], $0x1400  }
0x125: {  	[sflag:s18] =	ssyncset.done @!p0 $0x0  }
0x126: {  	[sflag:s18] =	ssyncadd.s32 @!p0 $0xFFFFEC00  }
0x127: {  	v1 =	vld [tilespmem:s17+$0x28];
	_ =	sdelay $0x4  }
0x128: {  	v1 =	vshrl.u32 v1, $0xE  }
0x129: {  	[tilespmem:$0x2A00] =	vst v1  }
0x12a: {  	v1 =	vld [tilespmem:s17+$0x38];
	_ =	sdelay $0x4  }
0x12b: {  	v1 =	vshrl.u32 v1, $0xE  }
0x12c: {  	[tilespmem:$0x2A10] =	vst v1  }
0x12d: {  	v1 =	vld [tilespmem:s17+$0x40];
	_ =	sdelay $0x4  }
0x12e: {  	v1 =	vshrl.u32 v1, $0xE  }
0x12f: {  	s18 =	simm.s32 $0xF0;
	[tilespmem:$0x2A18] =	vst v1  }
0x130: {  	v1 =	vld [tilespmem:s18+$0x5280]  }
0x131: {  	v2 =	vld [tilespmem:s18+$0x6680]  }
0x132: {  	v3 =	vld [tilespmem:s18+$0x5190]  }
0x133: {  	v4 =	vld [tilespmem:s18+$0x6590]  }
0x134: {  	v5 =	vld [tilespmem:s18+$0x51A0]  }
0x135: {  	v6 =	vld [tilespmem:s18+$0x65A0]  }
0x136: {  	v7 =	vld [tilespmem:s18+$0x51B0]  }
0x137: {  	v1 =	vadd.f32 v2, v1;
	v2 =	vld [tilespmem:s18+$0x65B0]  }
0x138: {  	v8 =	vld [tilespmem:s18+$0x51C0]  }
0x139: {  	v3 =	vadd.f32 v4, v3;
	v4 =	vld [tilespmem:s18+$0x65C0]  }
0x13a: {  	v5 =	vadd.f32 v6, v5;
	v6 =	vld [tilespmem:s18+$0x51E0];
	v1 =	vmax.f32 v1, $0.0e+00  }
0x13b: {  	[tilespmem:s18+$0x8E80] =	vst v1;
	v1 =	vmax.f32 v3, $0.0e+00;
	v3 =	vld [tilespmem:s18+$0x51D0]  }
0x13c: {  	v5 =	vmax.f32 v5, $0.0e+00;
	[tilespmem:s18+$0x8D90] =	vst v1;
	v1 =	vld [tilespmem:s18+$0x65D0];
	v2 =	vadd.f32 v2, v7  }
0x13d: {  	[tilespmem:s18+$0x8DA0] =	vst v5;
	v5 =	vld [tilespmem:s18+$0x65E0]  }
0x13e: {  	v7 =	vld [tilespmem:s18+$0x51F0];
	v2 =	vmax.f32 v2, $0.0e+00  }
0x13f: {  	v4 =	vadd.f32 v4, v8;
	[tilespmem:s18+$0x8DB0] =	vst v2;
	v2 =	vld [tilespmem:s18+$0x65F0]  }
0x140: {  	v8 =	vld [tilespmem:s18+$0x5200]  }
0x141: {  	v4 =	vmax.f32 v4, $0.0e+00;
	v1 =	vadd.f32 v1, v3;
	v3 =	vld [tilespmem:s18+$0x6600]  }
0x142: {  	[tilespmem:s18+$0x8DC0] =	vst v4;
	v4 =	vld [tilespmem:s18+$0x5210];
	v5 =	vadd.f32 v5, v6  }
0x143: {  	v6 =	vld [tilespmem:s18+$0x5220];
	v1 =	vmax.f32 v1, $0.0e+00  }
0x144: {  	v5 =	vmax.f32 v5, $0.0e+00;
	[tilespmem:s18+$0x8DD0] =	vst v1;
	v1 =	vld [tilespmem:s18+$0x6610];
	v2 =	vadd.f32 v2, v7  }
0x145: {  	[tilespmem:s18+$0x8DE0] =	vst v5;
	v5 =	vld [tilespmem:s18+$0x6620]  }
0x146: {  	v7 =	vld [tilespmem:s18+$0x5230];
	v3 =	vadd.f32 v3, v8;
	v2 =	vmax.f32 v2, $0.0e+00  }
0x147: {  	[tilespmem:s18+$0x8DF0] =	vst v2;
	v2 =	vld [tilespmem:s18+$0x6630]  }
0x148: {  	v8 =	vld [tilespmem:s18+$0x5240];
	v3 =	vmax.f32 v3, $0.0e+00  }
0x149: {  	v1 =	vadd.f32 v1, v4;
	[tilespmem:s18+$0x8E00] =	vst v3;
	v3 =	vld [tilespmem:s18+$0x6640]  }
0x14a: {  	v63 =	vld [tilespmem:s18+$0x5250];
	v4 =	vadd.f32 v5, v6  }
0x14b: {  	v6 =	vld [tilespmem:s18+$0x6650];
	v1 =	vmax.f32 v1, $0.0e+00  }
0x14c: {  	v4 =	vmax.f32 v4, $0.0e+00;
	[tilespmem:s18+$0x8E10] =	vst v1;
	v1 =	vld [tilespmem:s18+$0x5260];
	v2 =	vadd.f32 v2, v7  }
0x14d: {  	[tilespmem:s18+$0x8E20] =	vst v4;
	v4 =	vld [tilespmem:s18+$0x6660]  }
0x14e: {  	v7 =	vadd.f32 v3, v8;
	v5 =	vmax.f32 v2, $0.0e+00;
	v2 =	vld [tilespmem:s18+$0x5270]  }
0x14f: {  	s19 =	simm.s32 $0x1F0;
	[tilespmem:s18+$0x8E30] =	vst v5;
	v5 =	vld [tilespmem:s18+$0x6670]  }
0x150: {  	s20 =	simm.s32 $0xBC0;
	v6 =	vadd.f32 v6, v63;
	v7 =	vmax.f32 v7, $0.0e+00;
	v3 =	vld [tilespmem:s19+$0x5280]  }
.LBB2_7:
0x151: {  	p0 =	sne.s32 s20, $0x4FC0;
	v8 =	vld [tilespmem:s19+$0x6680];
	[tilespmem:s18+$0x8E40] =	vst v7  }
0x152: {  	v7 =	vld [tilespmem:s19+$0x5190];
	v6 =	vmax.f32 v6, $0.0e+00;
	v1 =	vadd.f32 v4, v1  }
0x153: {  	v4 =	vld [tilespmem:s19+$0x6590];
	[tilespmem:s18+$0x8E50] =	vst v6  }
0x154: {  	v6 =	vld [tilespmem:s19+$0x51A0];
	v1 =	vmax.f32 v1, $0.0e+00;
	v2 =	vadd.f32 v5, v2  }
0x155: {  	v5 =	vld [tilespmem:s19+$0x65A0];
	[tilespmem:s18+$0x8E60] =	vst v1  }
0x156: {  	v1 =	vld [tilespmem:s19+$0x51B0];
	v3 =	vadd.f32 v8, v3;
	v2 =	vmax.f32 v2, $0.0e+00  }
0x157: {  	v8 =	vld [tilespmem:s19+$0x65B0];
	[tilespmem:s18+$0x8E70] =	vst v2;
	s18 =	smov.u32 s19  }
0x158: {  	v2 =	vadd.f32 v4, v7;
	v4 =	vld [tilespmem:s18+$0x51C0];
	v3 =	vmax.f32 v3, $0.0e+00  }
0x159: {  	v7 =	vld [tilespmem:s18+$0x65C0];
	[tilespmem:s18+$0x8E80] =	vst v3  }
0x15a: {  	v2 =	vmax.f32 v2, $0.0e+00;
	v3 =	vadd.f32 v5, v6;
	v5 =	vld [tilespmem:s18+$0x51D0]  }
0x15b: {  	[tilespmem:s18+$0x8D90] =	vst v2;
	v2 =	vld [tilespmem:s18+$0x65D0]  }
0x15c: {  	v3 =	vmax.f32 v3, $0.0e+00;
	v1 =	vadd.f32 v8, v1;
	v6 =	vld [tilespmem:s18+$0x51E0]  }
0x15d: {  	[tilespmem:s18+$0x8DA0] =	vst v3;
	v3 =	vld [tilespmem:s18+$0x65E0]  }
0x15e: {  	v1 =	vmax.f32 v1, $0.0e+00;
	v4 =	vadd.f32 v7, v4;
	v7 =	vld [tilespmem:s18+$0x51F0]  }
0x15f: {  	[tilespmem:s18+$0x8DB0] =	vst v1;
	v1 =	vld [tilespmem:s18+$0x65F0]  }
0x160: {  	v4 =	vmax.f32 v4, $0.0e+00;
	v2 =	vadd.f32 v2, v5;
	v5 =	vld [tilespmem:s18+$0x5200]  }
0x161: {  	[tilespmem:s18+$0x8DC0] =	vst v4;
	v4 =	vld [tilespmem:s18+$0x6600]  }
0x162: {  	v2 =	vmax.f32 v2, $0.0e+00;
	v3 =	vadd.f32 v3, v6;
	v6 =	vld [tilespmem:s18+$0x5210]  }
0x163: {  	[tilespmem:s18+$0x8DD0] =	vst v2;
	v2 =	vld [tilespmem:s18+$0x6610]  }
0x164: {  	v3 =	vmax.f32 v3, $0.0e+00;
	v1 =	vadd.f32 v1, v7;
	v7 =	vld [tilespmem:s18+$0x5220]  }
0x165: {  	[tilespmem:s18+$0x8DE0] =	vst v3;
	v3 =	vld [tilespmem:s18+$0x6620]  }
0x166: {  	v1 =	vmax.f32 v1, $0.0e+00;
	v4 =	vadd.f32 v4, v5;
	v5 =	vld [tilespmem:s18+$0x5230]  }
0x167: {  	[tilespmem:s18+$0x8DF0] =	vst v1;
	v1 =	vld [tilespmem:s18+$0x6630]  }
0x168: {  	v4 =	vmax.f32 v4, $0.0e+00;
	v2 =	vadd.f32 v2, v6;
	v6 =	vld [tilespmem:s18+$0x5240]  }
0x169: {  	[tilespmem:s18+$0x8E00] =	vst v4;
	v8 =	vld [tilespmem:s18+$0x6640]  }
0x16a: {  	v2 =	vmax.f32 v2, $0.0e+00;
	v3 =	vadd.f32 v3, v7;
	v9 =	vld [tilespmem:s18+$0x5250]  }
0x16b: {  	[tilespmem:s18+$0x8E10] =	vst v2;
	v10 =	vld [tilespmem:s18+$0x6650]  }
.Ltmp4:
0x16c: {  	v2 =	vmax.f32 v3, $0.0e+00;
	v3 =	vadd.f32 v1, v5;
	v1 =	vld [tilespmem:s18+$0x5260];
	(pc) =	sbr.rel @p0 .LBB2_7-.Ltmp4, $4  }
0x16d: {  	[tilespmem:s18+$0x8E20] =	vst v2;
	v4 =	vld [tilespmem:s18+$0x6660]  }
0x16e: {  	v3 =	vmax.f32 v3, $0.0e+00;
	v6 =	vadd.f32 v8, v6;
	v2 =	vld [tilespmem:s18+$0x5270]  }
0x16f: {  	s19 =	sshra.s32 s20, $0x2;
	[tilespmem:s18+$0x8E30] =	vst v3;
	v5 =	vld [tilespmem:s18+$0x6670]  }
0x170: {  	s20 =	sadd.s32 $0x400, s20;
	v3 =	vld [tilespmem:s19+$0x5280];
	v7 =	vmax.f32 v6, $0.0e+00;
	v6 =	vadd.f32 v10, v9  }
0x171: {  	v8 =	vld [tilespmem:s19+$0x6680];
	[tilespmem:s18+$0x8E40] =	vst v7  }
0x172: {  	v7 =	vld [tilespmem:s19+$0x5190];
	v6 =	vmax.f32 v6, $0.0e+00;
	v1 =	vadd.f32 v4, v1  }
0x173: {  	v9 =	vld [tilespmem:s19+$0x6590];
	[tilespmem:s18+$0x8E50] =	vst v6  }
0x174: {  	v47 =	vld [tilespmem:s19+$0x51A0];
	v1 =	vmax.f32 v1, $0.0e+00;
	v2 =	vadd.f32 v5, v2  }
0x175: {  	v6 =	vld [tilespmem:s19+$0x65A0];
	[tilespmem:s18+$0x8E60] =	vst v1  }
0x176: {  	v1 =	vld [tilespmem:s19+$0x51B0];
	v2 =	vmax.f32 v2, $0.0e+00  }
0x177: {  	v48 =	vld [tilespmem:s19+$0x65B0];
	[tilespmem:s18+$0x8E70] =	vst v2  }
0x178: {  	v2 =	vld [tilespmem:s19+$0x51C0]  }
0x179: {  	v3 =	vadd.f32 v8, v3;
	v49 =	vld [tilespmem:s19+$0x65C0]  }
0x17a: {  	v7 =	vadd.f32 v9, v7;
	v50 =	vld [tilespmem:s19+$0x51D0]  }
0x17b: {  	v3 =	vmax.f32 v3, $0.0e+00;
	v51 =	vld [tilespmem:s19+$0x51E0]  }
0x17c: {  	v52 =	vld [tilespmem:s19+$0x65E0];
	[tilespmem:s19+$0x8E80] =	vst v3;
	v3 =	vmax.f32 v7, $0.0e+00;
	v1 =	vadd.f32 v48, v1  }
0x17d: {  	[tilespmem:s19+$0x8D90] =	vst v3;
	v3 =	vld [tilespmem:s19+$0x65D0]  }
0x17e: {  	v53 =	vld [tilespmem:s19+$0x51F0];
	v1 =	vmax.f32 v1, $0.0e+00  }
0x17f: {  	[tilespmem:s19+$0x8DB0] =	vst v1;
	v1 =	vld [tilespmem:s19+$0x65F0]  }
0x180: {  	v54 =	vld [tilespmem:s19+$0x5200]  }
0x181: {  	v55 =	vld [tilespmem:s19+$0x5210];
	v2 =	vadd.f32 v49, v2  }
0x182: {  	v56 =	vld [tilespmem:s19+$0x5220];
	v3 =	vadd.f32 v3, v50  }
0x183: {  	v57 =	vld [tilespmem:s19+$0x6620];
	v2 =	vmax.f32 v2, $0.0e+00  }
0x184: {  	[tilespmem:s19+$0x8DC0] =	vst v2;
	v2 =	vld [tilespmem:s19+$0x6600];
	v3 =	vmax.f32 v3, $0.0e+00;
	v1 =	vadd.f32 v1, v53  }
0x185: {  	[tilespmem:s19+$0x8DD0] =	vst v3;
	v3 =	vld [tilespmem:s19+$0x6610]  }
0x186: {  	v58 =	vld [tilespmem:s19+$0x5230];
	v1 =	vmax.f32 v1, $0.0e+00  }
0x187: {  	[tilespmem:s19+$0x8DF0] =	vst v1;
	v1 =	vld [tilespmem:s19+$0x6630]  }
0x188: {  	v59 =	vld [tilespmem:s19+$0x5240];
	v4 =	vadd.f32 v6, v47  }
0x189: {  	v60 =	vld [tilespmem:s19+$0x5250];
	v2 =	vadd.f32 v2, v54  }
0x18a: {  	v61 =	vld [tilespmem:s19+$0x5260];
	v4 =	vmax.f32 v4, $0.0e+00;
	v3 =	vadd.f32 v3, v55  }
0x18b: {  	v62 =	vld [tilespmem:s19+$0x6660];
	[tilespmem:s19+$0x8DA0] =	vst v4;
	v2 =	vmax.f32 v2, $0.0e+00  }
0x18c: {  	[tilespmem:s19+$0x8E00] =	vst v2;
	v2 =	vld [tilespmem:s19+$0x6640];
	v3 =	vmax.f32 v3, $0.0e+00;
	v1 =	vadd.f32 v1, v58  }
0x18d: {  	v4 =	vadd.f32 v52, v51;
	[tilespmem:s19+$0x8E10] =	vst v3;
	v3 =	vld [tilespmem:s19+$0x6650]  }
0x18e: {  	v63 =	vld [tilespmem:s19+$0x5270];
	v1 =	vmax.f32 v1, $0.0e+00  }
0x18f: {  	v4 =	vmax.f32 v4, $0.0e+00;
	[tilespmem:s19+$0x8E30] =	vst v1;
	v1 =	vld [tilespmem:s19+$0x6670]  }
0x190: {  	[tilespmem:s19+$0x8DE0] =	vst v4;
	v4 =	vadd.f32 v57, v56  }
0x191: {  	v2 =	vadd.f32 v2, v59  }
0x192: {  	v4 =	vmax.f32 v4, $0.0e+00;
	v3 =	vadd.f32 v3, v60  }
0x193: {  	[tilespmem:s19+$0x8E20] =	vst v4;
	v4 =	vadd.f32 v62, v61;
	v2 =	vmax.f32 v2, $0.0e+00  }
.Ltmp5:
0x194: {  	[tilespmem:s19+$0x8E40] =	vst v2;
	v2 =	vmax.f32 v3, $0.0e+00;
	v1 =	vadd.f32 v1, v63;
	(pc) =	sbr.rel @p1 .LBB2_10-.Ltmp5, $4  }
0x195: {  	[tilespmem:s19+$0x8E50] =	vst v2;
	v2 =	vmax.f32 v4, $0.0e+00  }
0x196: {  	[tilespmem:s19+$0x8E60] =	vst v2;
	v1 =	vmax.f32 v1, $0.0e+00  }
0x197: {  	[tilespmem:s19+$0x8E70] =	vst v1  }
0x198: {  	[spmem:s2] =	stream.indirect.scatter.add.f32 [tilespmem:s12], [sflag:$0x6], $0x80, s11, s29, $0xb8;
	[tilespmem:$0x1DE80] =	vst v63  }
0x199: {  	v1 =	vld [tilespmem:s17+$0x78];
	_ =	sdelay $0x4  }
0x19a: {  	v2 =	vand.u32 $0x3FFF, v1  }
0x19b: {  	v1 =	vshrl.u32 v1, $0xE;
	[tilespmem:$0x2800] =	vst v2  }
0x19c: {  	[tilespmem:$0x2900] =	vst v1  }
0x19d: {  	v1 =	vld [tilespmem:s17+$0x88];
	_ =	sdelay $0x4  }
0x19e: {  	v2 =	vand.u32 $0x3FFF, v1  }
0x19f: {  	v1 =	vshrl.u32 v1, $0xE;
	[tilespmem:$0x2810] =	vst v2  }
0x1a0: {  	[tilespmem:$0x2910] =	vst v1  }
0x1a1: {  	v1 =	vld [tilespmem:s17+$0x90];
	_ =	sdelay $0x4  }
0x1a2: {  	v2 =	vand.u32 $0x3FFF, v1  }
.Ltmp6:
0x1a3: {  	v1 =	vshrl.u32 v1, $0xE;
	[tilespmem:$0x2818] =	vst v2;
	(pc) =	sbr.rel .LBB2_4-.Ltmp6, $4  }
0x1a4: {  	[tilespmem:$0x2918] =	vst v1  }
0x1a5: {  	[tilespmem:s31], [sflag:$0x3] =	stream.indirect.gather [hbm4b:s1+s29], $0x80, s30, s29, $0xb8;
	[tilespmem:$0x1DE80] =	vst v63  }
0x1a6: {  	s16 =	sadd.s32 $0x1, s16  }
0x1a7: {  	[tilespmem:s4], [sflag:$0x4] =	stream.indirect.gather [hbm4b:s5+s29], $0x80, s0, s29, $0xb8;
	[tilespmem:$0x1DE80] =	vst v63  }
.LBB2_11:
0x1a8: {  	_ =	sfence.sel $0x180000  }
0x1a9: {  	[bflag:$0x0] =	sbarrier.arrive $0xFFFF  }
0x1aa: {  	_ =	strace $0x90000047  }
0x1ab: {  	s0 =	stileid.u32;
	[bflag:$0x2] =	sbarrier.arrive $0xFFFF  }
0x1ac: {  	p0 =	sne.s32 s0, $0x0;
	s0 =	rddreg [dreg:$0x3]  }
0x1ad: {  	s0 =	sadd.s32 @!p0 $0x100000, s0  }
0x1ae: {  	[sflag:s0] =	ssyncadd.tile.s32 @!p0 $0x1;
	_ =	shalt  }
.Lfunc_end2:
_tile_overlayer_lowered:
.L_overlay_start_2:
0x1af: {  	(tag) =	ssettag $0x2  }
0x1b0: {  	s0 =	rddreg [dreg:$0x0];
	s2 =	stileid.u32  }
0x1b1: {  	s1 =	rddreg [dreg:$0x1];
	p0 =	sne.s32 s2, $0x0  }
0x1b2: {  	s3 =	rddreg [dreg:$0x2];
	[bflag:$0x3] =	sbarrier.arrive $0xFFFF;
	s2 =	simm.s32 @!p0 $0x1C08  }
0x1b3: {  	[timem:s3], [sflag:s2] =	dma.local @!p0 [hbm:s0], s1  }
0x1b4: {  	s0 =	simm.s32 @!p0 $0x8  }
0x1b5: {  	_ =	swait.ge @!p0 [sflag:s0], s1  }
0x1b6: {  	s1 =	ssub.s32 @!p0 $0x0, s1;
	[sflag:s0] =	ssyncset.done @!p0 $0x0  }
0x1b7: {  	[sflag:s0] =	ssyncadd.s32 @!p0 s1  }
0x1b8: {  	[bflag:$0x3] =	sbarrier.arrive $0xFFFF  }
0x1b9: {  	_ =	shalt  }

</sc_bundles>
